<compile_context>
chip_gen: v7x
topology: tpu7x:2x2x1
jax: 0.10.2.dev20260603
libtpu: 0.0.44.dev20260713+nightly
codegen_flags: <defaults>
</compile_context>

<pallas_src>
import functools

import jax
import jax.numpy as jnp
from jax import lax
from jax.experimental import pallas as pl
from jax.experimental.pallas import tpu as pltpu
from jax.experimental.pallas import tpu_sc as plsc

N_NODES = 10000
N_EDGES = 320000
D_FEAT = 128
K_HOPS = 2

NUM_CORES = 2
NUM_SUBCORES = 16
NUM_WORKERS = NUM_CORES * NUM_SUBCORES
F_PER = D_FEAT // NUM_WORKERS

EDGE_CHUNK = 6400
N_CHUNKS = N_EDGES // EDGE_CHUNK
VECS_PER_CHUNK = EDGE_CHUNK // 16


def _make_sgconv():
  mesh = plsc.VectorSubcoreMesh(core_axis_name="c", subcore_axis_name="s")

  @functools.partial(
      pl.kernel,
      mesh=mesh,
      out_type=jax.ShapeDtypeStruct((D_FEAT, N_NODES), jnp.float32),
      compiler_params=pltpu.CompilerParams(needs_layout_passes=False),
      scratch_types=(
          [pltpu.VMEM((N_NODES,), jnp.float32) for _ in range(F_PER)]
          + [pltpu.VMEM((N_NODES,), jnp.float32) for _ in range(F_PER)]
          + [pltpu.VMEM((EDGE_CHUNK,), jnp.int32) for _ in range(2)]
          + [pltpu.VMEM((EDGE_CHUNK,), jnp.float32) for _ in range(2)]
          + [pltpu.SemaphoreType.DMA, pltpu.SemaphoreType.DMA]
      ),
  )
  def sgconv(xt_hbm, sd_hbm, w_hbm, out_hbm, *scratch):
    a_bufs = scratch[:F_PER]
    b_bufs = scratch[F_PER:2 * F_PER]
    n = 2 * F_PER
    sd_bufs = scratch[n:n + 2]
    w_bufs = scratch[n + 2:n + 4]
    sems = scratch[n + 4:n + 6]

    wid = lax.axis_index("c") * NUM_SUBCORES + lax.axis_index("s")
    f0 = wid * F_PER

    for f in range(F_PER):
      pltpu.sync_copy(xt_hbm.at[f0 + f], a_bufs[f])

    def zero_bufs(bufs):
      zeros = jnp.zeros((16,), jnp.float32)
      @plsc.parallel_loop(0, N_NODES // 16, unroll=8)
      def body(i):
        for buf in bufs:
          buf[pl.ds(i * 16, 16)] = zeros

    def issue_fetch(ci, b):
      base = ci * EDGE_CHUNK
      pltpu.async_copy(sd_hbm.at[pl.ds(base, EDGE_CHUNK)], sd_bufs[b],
                       sems[b])
      pltpu.async_copy(w_hbm.at[pl.ds(base, EDGE_CHUNK)], w_bufs[b], sems[b])

    def drain_fetch(b):
      pltpu.make_async_copy(sd_hbm.at[pl.ds(0, EDGE_CHUNK)], sd_bufs[b],
                            sems[b]).wait()
      pltpu.make_async_copy(w_hbm.at[pl.ds(0, EDGE_CHUNK)], w_bufs[b],
                            sems[b]).wait()

    def edge_pass(from_bufs, to_bufs):
      for b in range(2):
        issue_fetch(b, b)

      def chunk_pair_body(g, _):
        for b in range(2):
          ci = g * 2 + b
          drain_fetch(b)
          sd_v, w_v = sd_bufs[b], w_bufs[b]

          @plsc.parallel_loop(0, VECS_PER_CHUNK, unroll=8)
          def vec_body(i):
            sd = sd_v[pl.ds(i * 16, 16)]
            s = lax.shift_right_logical(sd, 16)
            d = lax.bitwise_and(sd, jnp.int32(0xFFFF))
            w = w_v[pl.ds(i * 16, 16)]
            for f in range(F_PER):
              vals = plsc.load_gather(from_bufs[f], [s])
              plsc.addupdate_scatter(to_bufs[f], [d], vals * w)

          @pl.when(ci + 2 < N_CHUNKS)
          def _():
            issue_fetch(ci + 2, b)

        return 0

      lax.fori_loop(0, N_CHUNKS // 2, chunk_pair_body, 0)

    zero_bufs(b_bufs)
    edge_pass(a_bufs, b_bufs)
    zero_bufs(a_bufs)
    edge_pass(b_bufs, a_bufs)
    for f in range(F_PER):
      pltpu.sync_copy(a_bufs[f], out_hbm.at[f0 + f])

  return sgconv


_sgconv = _make_sgconv()


@jax.jit
def kernel(x, edge_index, edge_weight):
  xt = x.T
  sd = jnp.bitwise_or(jnp.left_shift(edge_index[1], 16), edge_index[0])
  out_t = _sgconv(xt, sd, edge_weight)
  return out_t.T

# --- scband reference (transcript-rebuilt; emitter-appended) ---
"""Pipeline reference for scband-sgconvolution-20306605376133 (READ-ONLY COPY).

The authoritative reference and input builder live on the scoring server;
editing this copy changes nothing except your own understanding.
"""

import jax, jax.numpy as jnp
import numpy as np

N_NODES = 10000
N_EDGES = 320000
D_FEAT = 128
K = 2

def setup_inputs(seed: int = 0) -> dict:
    key = jax.random.key(seed)
    k1, k2, k3 = jax.random.split(key, 3)
    x = jax.random.normal(k1, (N_NODES, D_FEAT), dtype=jnp.float32)
    edge_index = jax.random.randint(k2, (2, N_EDGES), 0, N_NODES, dtype=jnp.int64 if jax.config.read('jax_enable_x64') else jnp.int32).astype(jnp.int32)
    edge_weight = jax.random.uniform(k3, (N_EDGES,), dtype=jnp.float32)
    return {"x": x, "edge_index": edge_index, "edge_weight": edge_weight}

def reference(x, edge_index, edge_weight):
    # SGConvolution: output = adj^K @ x, where adj is a sparse matrix given
    # in COO form by (edge_index, edge_weight). Row i of adj @ x is
    # sum over edges (i <- j) of w_e * x[j].
    src = edge_index[1]  # column index (gather source)
    dst = edge_index[0]  # row index (scatter destination)
    h = x
    for _ in range(K):
        msgs = h[src] * edge_weight[:, None]
        h = jax.ops.segment_sum(msgs, dst, num_segments=N_NODES)
    return h

if __name__ == "__main__":
    import jax
    _d = setup_inputs()
    print(jax.jit(kernel)(*tuple(_d.values())))

</pallas_src>

<mosaic_0001>
#map = affine_map<(d0, d1) -> (0, 0)>
#map1 = affine_map<(d0, d1) -> (0)>
module attributes {stable_mosaic.version = 14 : i64} {
  func.func @sgconv(%arg0: i32, %arg1: i32, %arg2: memref<128x10000xf32, #tpu.memory_space<hbm>>, %arg3: memref<320000xi32, #tpu.memory_space<hbm>>, %arg4: memref<320000xf32, #tpu.memory_space<hbm>>, %arg5: memref<128x10000xf32, #tpu.memory_space<hbm>>, %arg6: memref<10000xf32, #tpu.memory_space<vmem>>, %arg7: memref<10000xf32, #tpu.memory_space<vmem>>, %arg8: memref<10000xf32, #tpu.memory_space<vmem>>, %arg9: memref<10000xf32, #tpu.memory_space<vmem>>, %arg10: memref<10000xf32, #tpu.memory_space<vmem>>, %arg11: memref<10000xf32, #tpu.memory_space<vmem>>, %arg12: memref<10000xf32, #tpu.memory_space<vmem>>, %arg13: memref<10000xf32, #tpu.memory_space<vmem>>, %arg14: memref<6400xi32, #tpu.memory_space<vmem>>, %arg15: memref<6400xi32, #tpu.memory_space<vmem>>, %arg16: memref<6400xf32, #tpu.memory_space<vmem>>, %arg17: memref<6400xf32, #tpu.memory_space<vmem>>, %arg18: memref<!tpu.dma_semaphore, #tpu.memory_space<semaphore_mem>>, %arg19: memref<!tpu.dma_semaphore, #tpu.memory_space<semaphore_mem>>) attributes {dimension_semantics = [#tpu.dimension_semantics<core_parallel>, #tpu.dimension_semantics<subcore_parallel>], iteration_bounds = array<i64: 2, 16>, scalar_prefetch = 0 : i64, scratch_operands = 14 : i64, tpu.core_type = #tpu.core_type<sc_vector_subcore>, window_params = [{transform_indices = #map}, {transform_indices = #map1}, {transform_indices = #map1}, {transform_indices = #map}]} {
    %mul3A = arith.constant 16 : i32
    %mul3A_0 = arith.muli %arg0, %mul3A : i32
    %add3A = arith.addi %mul3A_0, %arg1 : i32
    %mul3A_1 = arith.constant 4 : i32
    %mul3A_2 = arith.muli %add3A, %mul3A_1 : i32
    %add3A_3 = arith.constant 0 : i32
    %add3A_4 = arith.addi %mul3A_2, %add3A_3 : i32
    "tpu.region"() ({
      %run_scoped3A = tpu.sem_alloc : memref<!tpu.dma_semaphore, #tpu.memory_space<semaphore_mem>>
      %dma_start3A_71 = arith.constant 0 : i32
      %dma_start3A_72 = tpu.memref_slice %arg2[%add3A_4, %dma_start3A_71] : memref<128x10000xf32, #tpu.memory_space<hbm>> -> memref<1x10000xf32, #tpu.memory_space<hbm>>
      %dma_start3A_73 = tpu.memref_squeeze %dma_start3A_72 : memref<1x10000xf32, #tpu.memory_space<hbm>> -> memref<10000xf32, #tpu.memory_space<hbm>>
      %dma_start3A_74 = arith.constant 0 : i32
      %dma_start3A_75 = tpu.memref_slice %arg2[%add3A_4, %dma_start3A_74] : memref<128x10000xf32, #tpu.memory_space<hbm>> -> memref<1x10000xf32, #tpu.memory_space<hbm>>
      %dma_start3A_76 = tpu.memref_squeeze %dma_start3A_75 : memref<1x10000xf32, #tpu.memory_space<hbm>> -> memref<10000xf32, #tpu.memory_space<hbm>>
      tpu.enqueue_dma source(%dma_start3A_76 : memref<10000xf32, #tpu.memory_space<hbm>>) target(%arg6 : memref<10000xf32, #tpu.memory_space<vmem>>) target_semaphore(%run_scoped3A : memref<!tpu.dma_semaphore, #tpu.memory_space<semaphore_mem>>)
      %dma_wait3A = arith.constant 0 : i32
      %dma_wait3A_77 = tpu.memref_slice %arg2[%add3A_4, %dma_wait3A] : memref<128x10000xf32, #tpu.memory_space<hbm>> -> memref<1x10000xf32, #tpu.memory_space<hbm>>
      %dma_wait3A_78 = tpu.memref_squeeze %dma_wait3A_77 : memref<1x10000xf32, #tpu.memory_space<hbm>> -> memref<10000xf32, #tpu.memory_space<hbm>>
      %dma_wait3A_79 = arith.constant 0 : i32
      %dma_wait3A_80 = tpu.memref_slice %arg2[%add3A_4, %dma_wait3A_79] : memref<128x10000xf32, #tpu.memory_space<hbm>> -> memref<1x10000xf32, #tpu.memory_space<hbm>>
      %dma_wait3A_81 = tpu.memref_squeeze %dma_wait3A_80 : memref<1x10000xf32, #tpu.memory_space<hbm>> -> memref<10000xf32, #tpu.memory_space<hbm>>
      tpu.wait_dma2 semaphore(%run_scoped3A : memref<!tpu.dma_semaphore, #tpu.memory_space<semaphore_mem>>) src(%dma_wait3A_81 : memref<10000xf32, #tpu.memory_space<hbm>>) dst(%arg6 : memref<10000xf32, #tpu.memory_space<vmem>>)
      tpu.yield
    }) : () -> ()
    %add3A_5 = arith.constant 1 : i32
    %add3A_6 = arith.addi %mul3A_2, %add3A_5 : i32
    "tpu.region"() ({
      %run_scoped3A = tpu.sem_alloc : memref<!tpu.dma_semaphore, #tpu.memory_space<semaphore_mem>>
      %dma_start3A_71 = arith.constant 0 : i32
      %dma_start3A_72 = tpu.memref_slice %arg2[%add3A_6, %dma_start3A_71] : memref<128x10000xf32, #tpu.memory_space<hbm>> -> memref<1x10000xf32, #tpu.memory_space<hbm>>
      %dma_start3A_73 = tpu.memref_squeeze %dma_start3A_72 : memref<1x10000xf32, #tpu.memory_space<hbm>> -> memref<10000xf32, #tpu.memory_space<hbm>>
      %dma_start3A_74 = arith.constant 0 : i32
      %dma_start3A_75 = tpu.memref_slice %arg2[%add3A_6, %dma_start3A_74] : memref<128x10000xf32, #tpu.memory_space<hbm>> -> memref<1x10000xf32, #tpu.memory_space<hbm>>
      %dma_start3A_76 = tpu.memref_squeeze %dma_start3A_75 : memref<1x10000xf32, #tpu.memory_space<hbm>> -> memref<10000xf32, #tpu.memory_space<hbm>>
      tpu.enqueue_dma source(%dma_start3A_76 : memref<10000xf32, #tpu.memory_space<hbm>>) target(%arg7 : memref<10000xf32, #tpu.memory_space<vmem>>) target_semaphore(%run_scoped3A : memref<!tpu.dma_semaphore, #tpu.memory_space<semaphore_mem>>)
      %dma_wait3A = arith.constant 0 : i32
      %dma_wait3A_77 = tpu.memref_slice %arg2[%add3A_6, %dma_wait3A] : memref<128x10000xf32, #tpu.memory_space<hbm>> -> memref<1x10000xf32, #tpu.memory_space<hbm>>
      %dma_wait3A_78 = tpu.memref_squeeze %dma_wait3A_77 : memref<1x10000xf32, #tpu.memory_space<hbm>> -> memref<10000xf32, #tpu.memory_space<hbm>>
      %dma_wait3A_79 = arith.constant 0 : i32
      %dma_wait3A_80 = tpu.memref_slice %arg2[%add3A_6, %dma_wait3A_79] : memref<128x10000xf32, #tpu.memory_space<hbm>> -> memref<1x10000xf32, #tpu.memory_space<hbm>>
      %dma_wait3A_81 = tpu.memref_squeeze %dma_wait3A_80 : memref<1x10000xf32, #tpu.memory_space<hbm>> -> memref<10000xf32, #tpu.memory_space<hbm>>
      tpu.wait_dma2 semaphore(%run_scoped3A : memref<!tpu.dma_semaphore, #tpu.memory_space<semaphore_mem>>) src(%dma_wait3A_81 : memref<10000xf32, #tpu.memory_space<hbm>>) dst(%arg7 : memref<10000xf32, #tpu.memory_space<vmem>>)
      tpu.yield
    }) : () -> ()
    %add3A_7 = arith.constant 2 : i32
    %add3A_8 = arith.addi %mul3A_2, %add3A_7 : i32
    "tpu.region"() ({
      %run_scoped3A = tpu.sem_alloc : memref<!tpu.dma_semaphore, #tpu.memory_space<semaphore_mem>>
      %dma_start3A_71 = arith.constant 0 : i32
      %dma_start3A_72 = tpu.memref_slice %arg2[%add3A_8, %dma_start3A_71] : memref<128x10000xf32, #tpu.memory_space<hbm>> -> memref<1x10000xf32, #tpu.memory_space<hbm>>
      %dma_start3A_73 = tpu.memref_squeeze %dma_start3A_72 : memref<1x10000xf32, #tpu.memory_space<hbm>> -> memref<10000xf32, #tpu.memory_space<hbm>>
      %dma_start3A_74 = arith.constant 0 : i32
      %dma_start3A_75 = tpu.memref_slice %arg2[%add3A_8, %dma_start3A_74] : memref<128x10000xf32, #tpu.memory_space<hbm>> -> memref<1x10000xf32, #tpu.memory_space<hbm>>
      %dma_start3A_76 = tpu.memref_squeeze %dma_start3A_75 : memref<1x10000xf32, #tpu.memory_space<hbm>> -> memref<10000xf32, #tpu.memory_space<hbm>>
      tpu.enqueue_dma source(%dma_start3A_76 : memref<10000xf32, #tpu.memory_space<hbm>>) target(%arg8 : memref<10000xf32, #tpu.memory_space<vmem>>) target_semaphore(%run_scoped3A : memref<!tpu.dma_semaphore, #tpu.memory_space<semaphore_mem>>)
      %dma_wait3A = arith.constant 0 : i32
      %dma_wait3A_77 = tpu.memref_slice %arg2[%add3A_8, %dma_wait3A] : memref<128x10000xf32, #tpu.memory_space<hbm>> -> memref<1x10000xf32, #tpu.memory_space<hbm>>
      %dma_wait3A_78 = tpu.memref_squeeze %dma_wait3A_77 : memref<1x10000xf32, #tpu.memory_space<hbm>> -> memref<10000xf32, #tpu.memory_space<hbm>>
      %dma_wait3A_79 = arith.constant 0 : i32
      %dma_wait3A_80 = tpu.memref_slice %arg2[%add3A_8, %dma_wait3A_79] : memref<128x10000xf32, #tpu.memory_space<hbm>> -> memref<1x10000xf32, #tpu.memory_space<hbm>>
      %dma_wait3A_81 = tpu.memref_squeeze %dma_wait3A_80 : memref<1x10000xf32, #tpu.memory_space<hbm>> -> memref<10000xf32, #tpu.memory_space<hbm>>
      tpu.wait_dma2 semaphore(%run_scoped3A : memref<!tpu.dma_semaphore, #tpu.memory_space<semaphore_mem>>) src(%dma_wait3A_81 : memref<10000xf32, #tpu.memory_space<hbm>>) dst(%arg8 : memref<10000xf32, #tpu.memory_space<vmem>>)
      tpu.yield
    }) : () -> ()
    %add3A_9 = arith.constant 3 : i32
    %add3A_10 = arith.addi %mul3A_2, %add3A_9 : i32
    "tpu.region"() ({
      %run_scoped3A = tpu.sem_alloc : memref<!tpu.dma_semaphore, #tpu.memory_space<semaphore_mem>>
      %dma_start3A_71 = arith.constant 0 : i32
      %dma_start3A_72 = tpu.memref_slice %arg2[%add3A_10, %dma_start3A_71] : memref<128x10000xf32, #tpu.memory_space<hbm>> -> memref<1x10000xf32, #tpu.memory_space<hbm>>
      %dma_start3A_73 = tpu.memref_squeeze %dma_start3A_72 : memref<1x10000xf32, #tpu.memory_space<hbm>> -> memref<10000xf32, #tpu.memory_space<hbm>>
      %dma_start3A_74 = arith.constant 0 : i32
      %dma_start3A_75 = tpu.memref_slice %arg2[%add3A_10, %dma_start3A_74] : memref<128x10000xf32, #tpu.memory_space<hbm>> -> memref<1x10000xf32, #tpu.memory_space<hbm>>
      %dma_start3A_76 = tpu.memref_squeeze %dma_start3A_75 : memref<1x10000xf32, #tpu.memory_space<hbm>> -> memref<10000xf32, #tpu.memory_space<hbm>>
      tpu.enqueue_dma source(%dma_start3A_76 : memref<10000xf32, #tpu.memory_space<hbm>>) target(%arg9 : memref<10000xf32, #tpu.memory_space<vmem>>) target_semaphore(%run_scoped3A : memref<!tpu.dma_semaphore, #tpu.memory_space<semaphore_mem>>)
      %dma_wait3A = arith.constant 0 : i32
      %dma_wait3A_77 = tpu.memref_slice %arg2[%add3A_10, %dma_wait3A] : memref<128x10000xf32, #tpu.memory_space<hbm>> -> memref<1x10000xf32, #tpu.memory_space<hbm>>
      %dma_wait3A_78 = tpu.memref_squeeze %dma_wait3A_77 : memref<1x10000xf32, #tpu.memory_space<hbm>> -> memref<10000xf32, #tpu.memory_space<hbm>>
      %dma_wait3A_79 = arith.constant 0 : i32
      %dma_wait3A_80 = tpu.memref_slice %arg2[%add3A_10, %dma_wait3A_79] : memref<128x10000xf32, #tpu.memory_space<hbm>> -> memref<1x10000xf32, #tpu.memory_space<hbm>>
      %dma_wait3A_81 = tpu.memref_squeeze %dma_wait3A_80 : memref<1x10000xf32, #tpu.memory_space<hbm>> -> memref<10000xf32, #tpu.memory_space<hbm>>
      tpu.wait_dma2 semaphore(%run_scoped3A : memref<!tpu.dma_semaphore, #tpu.memory_space<semaphore_mem>>) src(%dma_wait3A_81 : memref<10000xf32, #tpu.memory_space<hbm>>) dst(%arg9 : memref<10000xf32, #tpu.memory_space<vmem>>)
      tpu.yield
    }) : () -> ()
    %broadcast_in_dim3A = arith.constant 0.000000e+00 : f32
    %broadcast_in_dim3A_11 = vector.broadcast %broadcast_in_dim3A : f32 to vector<16xf32>
    %parallel_loop3A = arith.constant 0 : i32
    %parallel_loop3A_12 = arith.constant 625 : i32
    %parallel_loop3A_13 = arith.constant 1 : i32
    scf.for %parallel_loop3A_71 = %parallel_loop3A to %parallel_loop3A_12 step %parallel_loop3A_13  : i32 {
      %parallel_loop3A_72 = arith.constant 16 : i32
      %parallel_loop3A_73 = arith.muli %parallel_loop3A_71, %parallel_loop3A_72 : i32
      %parallel_loop3A_74 = arith.index_cast %parallel_loop3A_73 : i32 to index
      %parallel_loop3A_75 = tpu.vector_load %arg10[%parallel_loop3A_74] {strides = array<i32>} : memref<10000xf32, #tpu.memory_space<vmem>>, vector<16xf32>,
      tpu.vector_store %arg10[%parallel_loop3A_74], %broadcast_in_dim3A_11 {strides = array<i32>} : memref<10000xf32, #tpu.memory_space<vmem>>, vector<16xf32>,
      %parallel_loop3A_76 = arith.constant 16 : i32
      %parallel_loop3A_77 = arith.muli %parallel_loop3A_71, %parallel_loop3A_76 : i32
      %parallel_loop3A_78 = arith.index_cast %parallel_loop3A_77 : i32 to index
      %parallel_loop3A_79 = tpu.vector_load %arg11[%parallel_loop3A_78] {strides = array<i32>} : memref<10000xf32, #tpu.memory_space<vmem>>, vector<16xf32>,
      tpu.vector_store %arg11[%parallel_loop3A_78], %broadcast_in_dim3A_11 {strides = array<i32>} : memref<10000xf32, #tpu.memory_space<vmem>>, vector<16xf32>,
      %parallel_loop3A_80 = arith.constant 16 : i32
      %parallel_loop3A_81 = arith.muli %parallel_loop3A_71, %parallel_loop3A_80 : i32
      %parallel_loop3A_82 = arith.index_cast %parallel_loop3A_81 : i32 to index
      %parallel_loop3A_83 = tpu.vector_load %arg12[%parallel_loop3A_82] {strides = array<i32>} : memref<10000xf32, #tpu.memory_space<vmem>>, vector<16xf32>,
      tpu.vector_store %arg12[%parallel_loop3A_82], %broadcast_in_dim3A_11 {strides = array<i32>} : memref<10000xf32, #tpu.memory_space<vmem>>, vector<16xf32>,
      %parallel_loop3A_84 = arith.constant 16 : i32
      %parallel_loop3A_85 = arith.muli %parallel_loop3A_71, %parallel_loop3A_84 : i32
      %parallel_loop3A_86 = arith.index_cast %parallel_loop3A_85 : i32 to index
      %parallel_loop3A_87 = tpu.vector_load %arg13[%parallel_loop3A_86] {strides = array<i32>} : memref<10000xf32, #tpu.memory_space<vmem>>, vector<16xf32>,
      tpu.vector_store %arg13[%parallel_loop3A_86], %broadcast_in_dim3A_11 {strides = array<i32>} : memref<10000xf32, #tpu.memory_space<vmem>>, vector<16xf32>,
    } {sc.loop_unroll_factor = 8 : i64, sc.parallel_access}
    %dma_start3A = arith.constant 0 : i32
    %dma_start3A_14 = tpu.memref_slice %arg3[%dma_start3A] : memref<320000xi32, #tpu.memory_space<hbm>> -> memref<6400xi32, #tpu.memory_space<hbm>>
    %dma_start3A_15 = arith.constant 0 : i32
    %dma_start3A_16 = tpu.memref_slice %arg3[%dma_start3A_15] : memref<320000xi32, #tpu.memory_space<hbm>> -> memref<6400xi32, #tpu.memory_space<hbm>>
    tpu.enqueue_dma source(%dma_start3A_16 : memref<6400xi32, #tpu.memory_space<hbm>>) target(%arg14 : memref<6400xi32, #tpu.memory_space<vmem>>) target_semaphore(%arg18 : memref<!tpu.dma_semaphore, #tpu.memory_space<semaphore_mem>>)
    %dma_start3A_17 = arith.constant 0 : i32
    %dma_start3A_18 = tpu.memref_slice %arg4[%dma_start3A_17] : memref<320000xf32, #tpu.memory_space<hbm>> -> memref<6400xf32, #tpu.memory_space<hbm>>
    %dma_start3A_19 = arith.constant 0 : i32
    %dma_start3A_20 = tpu.memref_slice %arg4[%dma_start3A_19] : memref<320000xf32, #tpu.memory_space<hbm>> -> memref<6400xf32, #tpu.memory_space<hbm>>
    tpu.enqueue_dma source(%dma_start3A_20 : memref<6400xf32, #tpu.memory_space<hbm>>) target(%arg16 : memref<6400xf32, #tpu.memory_space<vmem>>) target_semaphore(%arg18 : memref<!tpu.dma_semaphore, #tpu.memory_space<semaphore_mem>>)
    %dma_start3A_21 = arith.constant 6400 : i32
    %dma_start3A_22 = tpu.memref_slice %arg3[%dma_start3A_21] : memref<320000xi32, #tpu.memory_space<hbm>> -> memref<6400xi32, #tpu.memory_space<hbm>>
    %dma_start3A_23 = arith.constant 6400 : i32
    %dma_start3A_24 = tpu.memref_slice %arg3[%dma_start3A_23] : memref<320000xi32, #tpu.memory_space<hbm>> -> memref<6400xi32, #tpu.memory_space<hbm>>
    tpu.enqueue_dma source(%dma_start3A_24 : memref<6400xi32, #tpu.memory_space<hbm>>) target(%arg15 : memref<6400xi32, #tpu.memory_space<vmem>>) target_semaphore(%arg19 : memref<!tpu.dma_semaphore, #tpu.memory_space<semaphore_mem>>)
    %dma_start3A_25 = arith.constant 6400 : i32
    %dma_start3A_26 = tpu.memref_slice %arg4[%dma_start3A_25] : memref<320000xf32, #tpu.memory_space<hbm>> -> memref<6400xf32, #tpu.memory_space<hbm>>
    %dma_start3A_27 = arith.constant 6400 : i32
    %dma_start3A_28 = tpu.memref_slice %arg4[%dma_start3A_27] : memref<320000xf32, #tpu.memory_space<hbm>> -> memref<6400xf32, #tpu.memory_space<hbm>>
    tpu.enqueue_dma source(%dma_start3A_28 : memref<6400xf32, #tpu.memory_space<hbm>>) target(%arg17 : memref<6400xf32, #tpu.memory_space<vmem>>) target_semaphore(%arg19 : memref<!tpu.dma_semaphore, #tpu.memory_space<semaphore_mem>>)
    %scan3A = arith.constant 0 : i32
    %scan3A_29 = arith.constant 0 : i32
    %scan3A_30 = arith.constant 25 : i32
    %scan3A_31 = arith.addi %scan3A_29, %scan3A_30 : i32
    %scan3A_32 = arith.constant 1 : i32
    %scan3A_33 = scf.for %scan3A_71 = %scan3A_29 to %scan3A_31 step %scan3A_32 iter_args(%scan3A_72 = %scan3A) -> (i32)  : i32 {
      %mul3A_73 = arith.constant 2 : i32
      %mul3A_74 = arith.muli %scan3A_71, %mul3A_73 : i32
      %add3A_75 = arith.constant 0 : i32
      %add3A_76 = arith.addi %mul3A_74, %add3A_75 : i32
      %dma_wait3A = arith.constant 0 : i32
      %dma_wait3A_77 = tpu.memref_slice %arg3[%dma_wait3A] : memref<320000xi32, #tpu.memory_space<hbm>> -> memref<6400xi32, #tpu.memory_space<hbm>>
      %dma_wait3A_78 = arith.constant 0 : i32
      %dma_wait3A_79 = tpu.memref_slice %arg3[%dma_wait3A_78] : memref<320000xi32, #tpu.memory_space<hbm>> -> memref<6400xi32, #tpu.memory_space<hbm>>
      tpu.wait_dma2 semaphore(%arg18 : memref<!tpu.dma_semaphore, #tpu.memory_space<semaphore_mem>>) src(%dma_wait3A_79 : memref<6400xi32, #tpu.memory_space<hbm>>) dst(%arg14 : memref<6400xi32, #tpu.memory_space<vmem>>)
      %dma_wait3A_80 = arith.constant 0 : i32
      %dma_wait3A_81 = tpu.memref_slice %arg4[%dma_wait3A_80] : memref<320000xf32, #tpu.memory_space<hbm>> -> memref<6400xf32, #tpu.memory_space<hbm>>
      %dma_wait3A_82 = arith.constant 0 : i32
      %dma_wait3A_83 = tpu.memref_slice %arg4[%dma_wait3A_82] : memref<320000xf32, #tpu.memory_space<hbm>> -> memref<6400xf32, #tpu.memory_space<hbm>>
      tpu.wait_dma2 semaphore(%arg18 : memref<!tpu.dma_semaphore, #tpu.memory_space<semaphore_mem>>) src(%dma_wait3A_83 : memref<6400xf32, #tpu.memory_space<hbm>>) dst(%arg16 : memref<6400xf32, #tpu.memory_space<vmem>>)
      %parallel_loop3A_84 = arith.constant 0 : i32
      %parallel_loop3A_85 = arith.constant 400 : i32
      %parallel_loop3A_86 = arith.constant 1 : i32
      scf.for %parallel_loop3A_114 = %parallel_loop3A_84 to %parallel_loop3A_85 step %parallel_loop3A_86  : i32 {
        %parallel_loop3A_115 = arith.constant 16 : i32
        %parallel_loop3A_116 = arith.muli %parallel_loop3A_114, %parallel_loop3A_115 : i32
        %parallel_loop3A_117 = arith.index_cast %parallel_loop3A_116 : i32 to index
        %parallel_loop3A_118 = tpu.vector_load %arg14[%parallel_loop3A_117] {strides = array<i32>} : memref<6400xi32, #tpu.memory_space<vmem>>, vector<16xi32>,
        %parallel_loop3A_119 = arith.constant 16 : i32
        %parallel_loop3A_120 = vector.broadcast %parallel_loop3A_119 : i32 to vector<16xi32>
        %parallel_loop3A_121 = arith.shrui %parallel_loop3A_118, %parallel_loop3A_120 : vector<16xi32>
        %parallel_loop3A_122 = arith.constant 65535 : i32
        %parallel_loop3A_123 = vector.broadcast %parallel_loop3A_122 : i32 to vector<16xi32>
        %parallel_loop3A_124 = arith.andi %parallel_loop3A_118, %parallel_loop3A_123 : vector<16xi32>
        %parallel_loop3A_125 = arith.constant 16 : i32
        %parallel_loop3A_126 = arith.muli %parallel_loop3A_114, %parallel_loop3A_125 : i32
        %parallel_loop3A_127 = arith.index_cast %parallel_loop3A_126 : i32 to index
        %parallel_loop3A_128 = tpu.vector_load %arg16[%parallel_loop3A_127] {strides = array<i32>} : memref<6400xf32, #tpu.memory_space<vmem>>, vector<16xf32>,
        %parallel_loop3A_129 = tpu.vector_load_idx %arg6[%parallel_loop3A_121] : memref<10000xf32, #tpu.memory_space<vmem>>[vector<16xi32>], vector<16xf32>,
        %parallel_loop3A_130 = arith.mulf %parallel_loop3A_129, %parallel_loop3A_128 : vector<16xf32>
        tpu.vector_store_idx %arg10[%parallel_loop3A_124], %parallel_loop3A_130 {add = true} : memref<10000xf32, #tpu.memory_space<vmem>>[vector<16xi32>], vector<16xf32>,
        %parallel_loop3A_131 = tpu.vector_load_idx %arg7[%parallel_loop3A_121] : memref<10000xf32, #tpu.memory_space<vmem>>[vector<16xi32>], vector<16xf32>,
        %parallel_loop3A_132 = arith.mulf %parallel_loop3A_131, %parallel_loop3A_128 : vector<16xf32>
        tpu.vector_store_idx %arg11[%parallel_loop3A_124], %parallel_loop3A_132 {add = true} : memref<10000xf32, #tpu.memory_space<vmem>>[vector<16xi32>], vector<16xf32>,
        %parallel_loop3A_133 = tpu.vector_load_idx %arg8[%parallel_loop3A_121] : memref<10000xf32, #tpu.memory_space<vmem>>[vector<16xi32>], vector<16xf32>,
        %parallel_loop3A_134 = arith.mulf %parallel_loop3A_133, %parallel_loop3A_128 : vector<16xf32>
        tpu.vector_store_idx %arg12[%parallel_loop3A_124], %parallel_loop3A_134 {add = true} : memref<10000xf32, #tpu.memory_space<vmem>>[vector<16xi32>], vector<16xf32>,
        %parallel_loop3A_135 = tpu.vector_load_idx %arg9[%parallel_loop3A_121] : memref<10000xf32, #tpu.memory_space<vmem>>[vector<16xi32>], vector<16xf32>,
        %parallel_loop3A_136 = arith.mulf %parallel_loop3A_135, %parallel_loop3A_128 : vector<16xf32>
        tpu.vector_store_idx %arg13[%parallel_loop3A_124], %parallel_loop3A_136 {add = true} : memref<10000xf32, #tpu.memory_space<vmem>>[vector<16xi32>], vector<16xf32>,
      } {sc.loop_unroll_factor = 8 : i64, sc.parallel_access}
      %add3A_87 = arith.constant 2 : i32
      %add3A_88 = arith.addi %add3A_76, %add3A_87 : i32
      %lt3A = arith.constant 50 : i32
      %lt3A_89 = arith.cmpi slt, %add3A_88, %lt3A : i32
      %convert_element_type3A = arith.extui %lt3A_89 : i1 to i32
      %cond3A = arith.constant 0 : i32
      %cond3A_90 = arith.cmpi ne, %convert_element_type3A, %cond3A : i32
      scf.if %cond3A_90 {
        %add3A_114 = arith.constant 2 : i32
        %add3A_115 = arith.addi %add3A_76, %add3A_114 : i32
        %mul3A_116 = arith.constant 6400 : i32
        %mul3A_117 = arith.muli %add3A_115, %mul3A_116 : i32
        %dma_start3A_118 = tpu.memref_slice %arg3[%mul3A_117] : memref<320000xi32, #tpu.memory_space<hbm>> -> memref<6400xi32, #tpu.memory_space<hbm>>
        %dma_start3A_119 = tpu.memref_slice %arg3[%mul3A_117] : memref<320000xi32, #tpu.memory_space<hbm>> -> memref<6400xi32, #tpu.memory_space<hbm>>
        tpu.enqueue_dma source(%dma_start3A_119 : memref<6400xi32, #tpu.memory_space<hbm>>) target(%arg14 : memref<6400xi32, #tpu.memory_space<vmem>>) target_semaphore(%arg18 : memref<!tpu.dma_semaphore, #tpu.memory_space<semaphore_mem>>)
        %dma_start3A_120 = tpu.memref_slice %arg4[%mul3A_117] : memref<320000xf32, #tpu.memory_space<hbm>> -> memref<6400xf32, #tpu.memory_space<hbm>>
        %dma_start3A_121 = tpu.memref_slice %arg4[%mul3A_117] : memref<320000xf32, #tpu.memory_space<hbm>> -> memref<6400xf32, #tpu.memory_space<hbm>>
        tpu.enqueue_dma source(%dma_start3A_121 : memref<6400xf32, #tpu.memory_space<hbm>>) target(%arg16 : memref<6400xf32, #tpu.memory_space<vmem>>) target_semaphore(%arg18 : memref<!tpu.dma_semaphore, #tpu.memory_space<semaphore_mem>>)
      } else {
      }
      %mul3A_91 = arith.constant 2 : i32
      %mul3A_92 = arith.muli %scan3A_71, %mul3A_91 : i32
      %add3A_93 = arith.constant 1 : i32
      %add3A_94 = arith.addi %mul3A_92, %add3A_93 : i32
      %dma_wait3A_95 = arith.constant 0 : i32
      %dma_wait3A_96 = tpu.memref_slice %arg3[%dma_wait3A_95] : memref<320000xi32, #tpu.memory_space<hbm>> -> memref<6400xi32, #tpu.memory_space<hbm>>
      %dma_wait3A_97 = arith.constant 0 : i32
      %dma_wait3A_98 = tpu.memref_slice %arg3[%dma_wait3A_97] : memref<320000xi32, #tpu.memory_space<hbm>> -> memref<6400xi32, #tpu.memory_space<hbm>>
      tpu.wait_dma2 semaphore(%arg19 : memref<!tpu.dma_semaphore, #tpu.memory_space<semaphore_mem>>) src(%dma_wait3A_98 : memref<6400xi32, #tpu.memory_space<hbm>>) dst(%arg15 : memref<6400xi32, #tpu.memory_space<vmem>>)
      %dma_wait3A_99 = arith.constant 0 : i32
      %dma_wait3A_100 = tpu.memref_slice %arg4[%dma_wait3A_99] : memref<320000xf32, #tpu.memory_space<hbm>> -> memref<6400xf32, #tpu.memory_space<hbm>>
      %dma_wait3A_101 = arith.constant 0 : i32
      %dma_wait3A_102 = tpu.memref_slice %arg4[%dma_wait3A_101] : memref<320000xf32, #tpu.memory_space<hbm>> -> memref<6400xf32, #tpu.memory_space<hbm>>
      tpu.wait_dma2 semaphore(%arg19 : memref<!tpu.dma_semaphore, #tpu.memory_space<semaphore_mem>>) src(%dma_wait3A_102 : memref<6400xf32, #tpu.memory_space<hbm>>) dst(%arg17 : memref<6400xf32, #tpu.memory_space<vmem>>)
      %parallel_loop3A_103 = arith.constant 0 : i32
      %parallel_loop3A_104 = arith.constant 400 : i32
      %parallel_loop3A_105 = arith.constant 1 : i32
      scf.for %parallel_loop3A_114 = %parallel_loop3A_103 to %parallel_loop3A_104 step %parallel_loop3A_105  : i32 {
        %parallel_loop3A_115 = arith.constant 16 : i32
        %parallel_loop3A_116 = arith.muli %parallel_loop3A_114, %parallel_loop3A_115 : i32
        %parallel_loop3A_117 = arith.index_cast %parallel_loop3A_116 : i32 to index
        %parallel_loop3A_118 = tpu.vector_load %arg15[%parallel_loop3A_117] {strides = array<i32>} : memref<6400xi32, #tpu.memory_space<vmem>>, vector<16xi32>,
        %parallel_loop3A_119 = arith.constant 16 : i32
        %parallel_loop3A_120 = vector.broadcast %parallel_loop3A_119 : i32 to vector<16xi32>
        %parallel_loop3A_121 = arith.shrui %parallel_loop3A_118, %parallel_loop3A_120 : vector<16xi32>
        %parallel_loop3A_122 = arith.constant 65535 : i32
        %parallel_loop3A_123 = vector.broadcast %parallel_loop3A_122 : i32 to vector<16xi32>
        %parallel_loop3A_124 = arith.andi %parallel_loop3A_118, %parallel_loop3A_123 : vector<16xi32>
        %parallel_loop3A_125 = arith.constant 16 : i32
        %parallel_loop3A_126 = arith.muli %parallel_loop3A_114, %parallel_loop3A_125 : i32
        %parallel_loop3A_127 = arith.index_cast %parallel_loop3A_126 : i32 to index
        %parallel_loop3A_128 = tpu.vector_load %arg17[%parallel_loop3A_127] {strides = array<i32>} : memref<6400xf32, #tpu.memory_space<vmem>>, vector<16xf32>,
        %parallel_loop3A_129 = tpu.vector_load_idx %arg6[%parallel_loop3A_121] : memref<10000xf32, #tpu.memory_space<vmem>>[vector<16xi32>], vector<16xf32>,
        %parallel_loop3A_130 = arith.mulf %parallel_loop3A_129, %parallel_loop3A_128 : vector<16xf32>
        tpu.vector_store_idx %arg10[%parallel_loop3A_124], %parallel_loop3A_130 {add = true} : memref<10000xf32, #tpu.memory_space<vmem>>[vector<16xi32>], vector<16xf32>,
        %parallel_loop3A_131 = tpu.vector_load_idx %arg7[%parallel_loop3A_121] : memref<10000xf32, #tpu.memory_space<vmem>>[vector<16xi32>], vector<16xf32>,
        %parallel_loop3A_132 = arith.mulf %parallel_loop3A_131, %parallel_loop3A_128 : vector<16xf32>
        tpu.vector_store_idx %arg11[%parallel_loop3A_124], %parallel_loop3A_132 {add = true} : memref<10000xf32, #tpu.memory_space<vmem>>[vector<16xi32>], vector<16xf32>,
        %parallel_loop3A_133 = tpu.vector_load_idx %arg8[%parallel_loop3A_121] : memref<10000xf32, #tpu.memory_space<vmem>>[vector<16xi32>], vector<16xf32>,
        %parallel_loop3A_134 = arith.mulf %parallel_loop3A_133, %parallel_loop3A_128 : vector<16xf32>
        tpu.vector_store_idx %arg12[%parallel_loop3A_124], %parallel_loop3A_134 {add = true} : memref<10000xf32, #tpu.memory_space<vmem>>[vector<16xi32>], vector<16xf32>,
        %parallel_loop3A_135 = tpu.vector_load_idx %arg9[%parallel_loop3A_121] : memref<10000xf32, #tpu.memory_space<vmem>>[vector<16xi32>], vector<16xf32>,
        %parallel_loop3A_136 = arith.mulf %parallel_loop3A_135, %parallel_loop3A_128 : vector<16xf32>
        tpu.vector_store_idx %arg13[%parallel_loop3A_124], %parallel_loop3A_136 {add = true} : memref<10000xf32, #tpu.memory_space<vmem>>[vector<16xi32>], vector<16xf32>,
      } {sc.loop_unroll_factor = 8 : i64, sc.parallel_access}
      %add3A_106 = arith.constant 2 : i32
      %add3A_107 = arith.addi %add3A_94, %add3A_106 : i32
      %lt3A_108 = arith.constant 50 : i32
      %lt3A_109 = arith.cmpi slt, %add3A_107, %lt3A_108 : i32
      %convert_element_type3A_110 = arith.extui %lt3A_109 : i1 to i32
      %cond3A_111 = arith.constant 0 : i32
      %cond3A_112 = arith.cmpi ne, %convert_element_type3A_110, %cond3A_111 : i32
      scf.if %cond3A_112 {
        %add3A_114 = arith.constant 2 : i32
        %add3A_115 = arith.addi %add3A_94, %add3A_114 : i32
        %mul3A_116 = arith.constant 6400 : i32
        %mul3A_117 = arith.muli %add3A_115, %mul3A_116 : i32
        %dma_start3A_118 = tpu.memref_slice %arg3[%mul3A_117] : memref<320000xi32, #tpu.memory_space<hbm>> -> memref<6400xi32, #tpu.memory_space<hbm>>
        %dma_start3A_119 = tpu.memref_slice %arg3[%mul3A_117] : memref<320000xi32, #tpu.memory_space<hbm>> -> memref<6400xi32, #tpu.memory_space<hbm>>
        tpu.enqueue_dma source(%dma_start3A_119 : memref<6400xi32, #tpu.memory_space<hbm>>) target(%arg15 : memref<6400xi32, #tpu.memory_space<vmem>>) target_semaphore(%arg19 : memref<!tpu.dma_semaphore, #tpu.memory_space<semaphore_mem>>)
        %dma_start3A_120 = tpu.memref_slice %arg4[%mul3A_117] : memref<320000xf32, #tpu.memory_space<hbm>> -> memref<6400xf32, #tpu.memory_space<hbm>>
        %dma_start3A_121 = tpu.memref_slice %arg4[%mul3A_117] : memref<320000xf32, #tpu.memory_space<hbm>> -> memref<6400xf32, #tpu.memory_space<hbm>>
        tpu.enqueue_dma source(%dma_start3A_121 : memref<6400xf32, #tpu.memory_space<hbm>>) target(%arg17 : memref<6400xf32, #tpu.memory_space<vmem>>) target_semaphore(%arg19 : memref<!tpu.dma_semaphore, #tpu.memory_space<semaphore_mem>>)
      } else {
      }
      %scan3A_113 = arith.constant 0 : i32
      scf.yield %scan3A_113 : i32
    }
    %scan3A_34 = arith.constant 25 : i32
    %broadcast_in_dim3A_35 = arith.constant 0.000000e+00 : f32
    %broadcast_in_dim3A_36 = vector.broadcast %broadcast_in_dim3A_35 : f32 to vector<16xf32>
    %parallel_loop3A_37 = arith.constant 0 : i32
    %parallel_loop3A_38 = arith.constant 625 : i32
    %parallel_loop3A_39 = arith.constant 1 : i32
    scf.for %parallel_loop3A_71 = %parallel_loop3A_37 to %parallel_loop3A_38 step %parallel_loop3A_39  : i32 {
      %parallel_loop3A_72 = arith.constant 16 : i32
      %parallel_loop3A_73 = arith.muli %parallel_loop3A_71, %parallel_loop3A_72 : i32
      %parallel_loop3A_74 = arith.index_cast %parallel_loop3A_73 : i32 to index
      %parallel_loop3A_75 = tpu.vector_load %arg6[%parallel_loop3A_74] {strides = array<i32>} : memref<10000xf32, #tpu.memory_space<vmem>>, vector<16xf32>,
      tpu.vector_store %arg6[%parallel_loop3A_74], %broadcast_in_dim3A_36 {strides = array<i32>} : memref<10000xf32, #tpu.memory_space<vmem>>, vector<16xf32>,
      %parallel_loop3A_76 = arith.constant 16 : i32
      %parallel_loop3A_77 = arith.muli %parallel_loop3A_71, %parallel_loop3A_76 : i32
      %parallel_loop3A_78 = arith.index_cast %parallel_loop3A_77 : i32 to index
      %parallel_loop3A_79 = tpu.vector_load %arg7[%parallel_loop3A_78] {strides = array<i32>} : memref<10000xf32, #tpu.memory_space<vmem>>, vector<16xf32>,
      tpu.vector_store %arg7[%parallel_loop3A_78], %broadcast_in_dim3A_36 {strides = array<i32>} : memref<10000xf32, #tpu.memory_space<vmem>>, vector<16xf32>,
      %parallel_loop3A_80 = arith.constant 16 : i32
      %parallel_loop3A_81 = arith.muli %parallel_loop3A_71, %parallel_loop3A_80 : i32
      %parallel_loop3A_82 = arith.index_cast %parallel_loop3A_81 : i32 to index
      %parallel_loop3A_83 = tpu.vector_load %arg8[%parallel_loop3A_82] {strides = array<i32>} : memref<10000xf32, #tpu.memory_space<vmem>>, vector<16xf32>,
      tpu.vector_store %arg8[%parallel_loop3A_82], %broadcast_in_dim3A_36 {strides = array<i32>} : memref<10000xf32, #tpu.memory_space<vmem>>, vector<16xf32>,
      %parallel_loop3A_84 = arith.constant 16 : i32
      %parallel_loop3A_85 = arith.muli %parallel_loop3A_71, %parallel_loop3A_84 : i32
      %parallel_loop3A_86 = arith.index_cast %parallel_loop3A_85 : i32 to index
      %parallel_loop3A_87 = tpu.vector_load %arg9[%parallel_loop3A_86] {strides = array<i32>} : memref<10000xf32, #tpu.memory_space<vmem>>, vector<16xf32>,
      tpu.vector_store %arg9[%parallel_loop3A_86], %broadcast_in_dim3A_36 {strides = array<i32>} : memref<10000xf32, #tpu.memory_space<vmem>>, vector<16xf32>,
    } {sc.loop_unroll_factor = 8 : i64, sc.parallel_access}
    %dma_start3A_40 = arith.constant 0 : i32
    %dma_start3A_41 = tpu.memref_slice %arg3[%dma_start3A_40] : memref<320000xi32, #tpu.memory_space<hbm>> -> memref<6400xi32, #tpu.memory_space<hbm>>
    %dma_start3A_42 = arith.constant 0 : i32
    %dma_start3A_43 = tpu.memref_slice %arg3[%dma_start3A_42] : memref<320000xi32, #tpu.memory_space<hbm>> -> memref<6400xi32, #tpu.memory_space<hbm>>
    tpu.enqueue_dma source(%dma_start3A_43 : memref<6400xi32, #tpu.memory_space<hbm>>) target(%arg14 : memref<6400xi32, #tpu.memory_space<vmem>>) target_semaphore(%arg18 : memref<!tpu.dma_semaphore, #tpu.memory_space<semaphore_mem>>)
    %dma_start3A_44 = arith.constant 0 : i32
    %dma_start3A_45 = tpu.memref_slice %arg4[%dma_start3A_44] : memref<320000xf32, #tpu.memory_space<hbm>> -> memref<6400xf32, #tpu.memory_space<hbm>>
    %dma_start3A_46 = arith.constant 0 : i32
    %dma_start3A_47 = tpu.memref_slice %arg4[%dma_start3A_46] : memref<320000xf32, #tpu.memory_space<hbm>> -> memref<6400xf32, #tpu.memory_space<hbm>>
    tpu.enqueue_dma source(%dma_start3A_47 : memref<6400xf32, #tpu.memory_space<hbm>>) target(%arg16 : memref<6400xf32, #tpu.memory_space<vmem>>) target_semaphore(%arg18 : memref<!tpu.dma_semaphore, #tpu.memory_space<semaphore_mem>>)
    %dma_start3A_48 = arith.constant 6400 : i32
    %dma_start3A_49 = tpu.memref_slice %arg3[%dma_start3A_48] : memref<320000xi32, #tpu.memory_space<hbm>> -> memref<6400xi32, #tpu.memory_space<hbm>>
    %dma_start3A_50 = arith.constant 6400 : i32
    %dma_start3A_51 = tpu.memref_slice %arg3[%dma_start3A_50] : memref<320000xi32, #tpu.memory_space<hbm>> -> memref<6400xi32, #tpu.memory_space<hbm>>
    tpu.enqueue_dma source(%dma_start3A_51 : memref<6400xi32, #tpu.memory_space<hbm>>) target(%arg15 : memref<6400xi32, #tpu.memory_space<vmem>>) target_semaphore(%arg19 : memref<!tpu.dma_semaphore, #tpu.memory_space<semaphore_mem>>)
    %dma_start3A_52 = arith.constant 6400 : i32
    %dma_start3A_53 = tpu.memref_slice %arg4[%dma_start3A_52] : memref<320000xf32, #tpu.memory_space<hbm>> -> memref<6400xf32, #tpu.memory_space<hbm>>
    %dma_start3A_54 = arith.constant 6400 : i32
    %dma_start3A_55 = tpu.memref_slice %arg4[%dma_start3A_54] : memref<320000xf32, #tpu.memory_space<hbm>> -> memref<6400xf32, #tpu.memory_space<hbm>>
    tpu.enqueue_dma source(%dma_start3A_55 : memref<6400xf32, #tpu.memory_space<hbm>>) target(%arg17 : memref<6400xf32, #tpu.memory_space<vmem>>) target_semaphore(%arg19 : memref<!tpu.dma_semaphore, #tpu.memory_space<semaphore_mem>>)
    %scan3A_56 = arith.constant 0 : i32
    %scan3A_57 = arith.constant 0 : i32
    %scan3A_58 = arith.constant 25 : i32
    %scan3A_59 = arith.addi %scan3A_57, %scan3A_58 : i32
    %scan3A_60 = arith.constant 1 : i32
    %scan3A_61 = scf.for %scan3A_71 = %scan3A_57 to %scan3A_59 step %scan3A_60 iter_args(%scan3A_72 = %scan3A_56) -> (i32)  : i32 {
      %mul3A_73 = arith.constant 2 : i32
      %mul3A_74 = arith.muli %scan3A_71, %mul3A_73 : i32
      %add3A_75 = arith.constant 0 : i32
      %add3A_76 = arith.addi %mul3A_74, %add3A_75 : i32
      %dma_wait3A = arith.constant 0 : i32
      %dma_wait3A_77 = tpu.memref_slice %arg3[%dma_wait3A] : memref<320000xi32, #tpu.memory_space<hbm>> -> memref<6400xi32, #tpu.memory_space<hbm>>
      %dma_wait3A_78 = arith.constant 0 : i32
      %dma_wait3A_79 = tpu.memref_slice %arg3[%dma_wait3A_78] : memref<320000xi32, #tpu.memory_space<hbm>> -> memref<6400xi32, #tpu.memory_space<hbm>>
      tpu.wait_dma2 semaphore(%arg18 : memref<!tpu.dma_semaphore, #tpu.memory_space<semaphore_mem>>) src(%dma_wait3A_79 : memref<6400xi32, #tpu.memory_space<hbm>>) dst(%arg14 : memref<6400xi32, #tpu.memory_space<vmem>>)
      %dma_wait3A_80 = arith.constant 0 : i32
      %dma_wait3A_81 = tpu.memref_slice %arg4[%dma_wait3A_80] : memref<320000xf32, #tpu.memory_space<hbm>> -> memref<6400xf32, #tpu.memory_space<hbm>>
      %dma_wait3A_82 = arith.constant 0 : i32
      %dma_wait3A_83 = tpu.memref_slice %arg4[%dma_wait3A_82] : memref<320000xf32, #tpu.memory_space<hbm>> -> memref<6400xf32, #tpu.memory_space<hbm>>
      tpu.wait_dma2 semaphore(%arg18 : memref<!tpu.dma_semaphore, #tpu.memory_space<semaphore_mem>>) src(%dma_wait3A_83 : memref<6400xf32, #tpu.memory_space<hbm>>) dst(%arg16 : memref<6400xf32, #tpu.memory_space<vmem>>)
      %parallel_loop3A_84 = arith.constant 0 : i32
      %parallel_loop3A_85 = arith.constant 400 : i32
      %parallel_loop3A_86 = arith.constant 1 : i32
      scf.for %parallel_loop3A_114 = %parallel_loop3A_84 to %parallel_loop3A_85 step %parallel_loop3A_86  : i32 {
        %parallel_loop3A_115 = arith.constant 16 : i32
        %parallel_loop3A_116 = arith.muli %parallel_loop3A_114, %parallel_loop3A_115 : i32
        %parallel_loop3A_117 = arith.index_cast %parallel_loop3A_116 : i32 to index
        %parallel_loop3A_118 = tpu.vector_load %arg14[%parallel_loop3A_117] {strides = array<i32>} : memref<6400xi32, #tpu.memory_space<vmem>>, vector<16xi32>,
        %parallel_loop3A_119 = arith.constant 16 : i32
        %parallel_loop3A_120 = vector.broadcast %parallel_loop3A_119 : i32 to vector<16xi32>
        %parallel_loop3A_121 = arith.shrui %parallel_loop3A_118, %parallel_loop3A_120 : vector<16xi32>
        %parallel_loop3A_122 = arith.constant 65535 : i32
        %parallel_loop3A_123 = vector.broadcast %parallel_loop3A_122 : i32 to vector<16xi32>
        %parallel_loop3A_124 = arith.andi %parallel_loop3A_118, %parallel_loop3A_123 : vector<16xi32>
        %parallel_loop3A_125 = arith.constant 16 : i32
        %parallel_loop3A_126 = arith.muli %parallel_loop3A_114, %parallel_loop3A_125 : i32
        %parallel_loop3A_127 = arith.index_cast %parallel_loop3A_126 : i32 to index
        %parallel_loop3A_128 = tpu.vector_load %arg16[%parallel_loop3A_127] {strides = array<i32>} : memref<6400xf32, #tpu.memory_space<vmem>>, vector<16xf32>,
        %parallel_loop3A_129 = tpu.vector_load_idx %arg10[%parallel_loop3A_121] : memref<10000xf32, #tpu.memory_space<vmem>>[vector<16xi32>], vector<16xf32>,
        %parallel_loop3A_130 = arith.mulf %parallel_loop3A_129, %parallel_loop3A_128 : vector<16xf32>
        tpu.vector_store_idx %arg6[%parallel_loop3A_124], %parallel_loop3A_130 {add = true} : memref<10000xf32, #tpu.memory_space<vmem>>[vector<16xi32>], vector<16xf32>,
        %parallel_loop3A_131 = tpu.vector_load_idx %arg11[%parallel_loop3A_121] : memref<10000xf32, #tpu.memory_space<vmem>>[vector<16xi32>], vector<16xf32>,
        %parallel_loop3A_132 = arith.mulf %parallel_loop3A_131, %parallel_loop3A_128 : vector<16xf32>
        tpu.vector_store_idx %arg7[%parallel_loop3A_124], %parallel_loop3A_132 {add = true} : memref<10000xf32, #tpu.memory_space<vmem>>[vector<16xi32>], vector<16xf32>,
        %parallel_loop3A_133 = tpu.vector_load_idx %arg12[%parallel_loop3A_121] : memref<10000xf32, #tpu.memory_space<vmem>>[vector<16xi32>], vector<16xf32>,
        %parallel_loop3A_134 = arith.mulf %parallel_loop3A_133, %parallel_loop3A_128 : vector<16xf32>
        tpu.vector_store_idx %arg8[%parallel_loop3A_124], %parallel_loop3A_134 {add = true} : memref<10000xf32, #tpu.memory_space<vmem>>[vector<16xi32>], vector<16xf32>,
        %parallel_loop3A_135 = tpu.vector_load_idx %arg13[%parallel_loop3A_121] : memref<10000xf32, #tpu.memory_space<vmem>>[vector<16xi32>], vector<16xf32>,
        %parallel_loop3A_136 = arith.mulf %parallel_loop3A_135, %parallel_loop3A_128 : vector<16xf32>
        tpu.vector_store_idx %arg9[%parallel_loop3A_124], %parallel_loop3A_136 {add = true} : memref<10000xf32, #tpu.memory_space<vmem>>[vector<16xi32>], vector<16xf32>,
      } {sc.loop_unroll_factor = 8 : i64, sc.parallel_access}
      %add3A_87 = arith.constant 2 : i32
      %add3A_88 = arith.addi %add3A_76, %add3A_87 : i32
      %lt3A = arith.constant 50 : i32
      %lt3A_89 = arith.cmpi slt, %add3A_88, %lt3A : i32
      %convert_element_type3A = arith.extui %lt3A_89 : i1 to i32
      %cond3A = arith.constant 0 : i32
      %cond3A_90 = arith.cmpi ne, %convert_element_type3A, %cond3A : i32
      scf.if %cond3A_90 {
        %add3A_114 = arith.constant 2 : i32
        %add3A_115 = arith.addi %add3A_76, %add3A_114 : i32
        %mul3A_116 = arith.constant 6400 : i32
        %mul3A_117 = arith.muli %add3A_115, %mul3A_116 : i32
        %dma_start3A_118 = tpu.memref_slice %arg3[%mul3A_117] : memref<320000xi32, #tpu.memory_space<hbm>> -> memref<6400xi32, #tpu.memory_space<hbm>>
        %dma_start3A_119 = tpu.memref_slice %arg3[%mul3A_117] : memref<320000xi32, #tpu.memory_space<hbm>> -> memref<6400xi32, #tpu.memory_space<hbm>>
        tpu.enqueue_dma source(%dma_start3A_119 : memref<6400xi32, #tpu.memory_space<hbm>>) target(%arg14 : memref<6400xi32, #tpu.memory_space<vmem>>) target_semaphore(%arg18 : memref<!tpu.dma_semaphore, #tpu.memory_space<semaphore_mem>>)
        %dma_start3A_120 = tpu.memref_slice %arg4[%mul3A_117] : memref<320000xf32, #tpu.memory_space<hbm>> -> memref<6400xf32, #tpu.memory_space<hbm>>
        %dma_start3A_121 = tpu.memref_slice %arg4[%mul3A_117] : memref<320000xf32, #tpu.memory_space<hbm>> -> memref<6400xf32, #tpu.memory_space<hbm>>
        tpu.enqueue_dma source(%dma_start3A_121 : memref<6400xf32, #tpu.memory_space<hbm>>) target(%arg16 : memref<6400xf32, #tpu.memory_space<vmem>>) target_semaphore(%arg18 : memref<!tpu.dma_semaphore, #tpu.memory_space<semaphore_mem>>)
      } else {
      }
      %mul3A_91 = arith.constant 2 : i32
      %mul3A_92 = arith.muli %scan3A_71, %mul3A_91 : i32
      %add3A_93 = arith.constant 1 : i32
      %add3A_94 = arith.addi %mul3A_92, %add3A_93 : i32
      %dma_wait3A_95 = arith.constant 0 : i32
      %dma_wait3A_96 = tpu.memref_slice %arg3[%dma_wait3A_95] : memref<320000xi32, #tpu.memory_space<hbm>> -> memref<6400xi32, #tpu.memory_space<hbm>>
      %dma_wait3A_97 = arith.constant 0 : i32
      %dma_wait3A_98 = tpu.memref_slice %arg3[%dma_wait3A_97] : memref<320000xi32, #tpu.memory_space<hbm>> -> memref<6400xi32, #tpu.memory_space<hbm>>
      tpu.wait_dma2 semaphore(%arg19 : memref<!tpu.dma_semaphore, #tpu.memory_space<semaphore_mem>>) src(%dma_wait3A_98 : memref<6400xi32, #tpu.memory_space<hbm>>) dst(%arg15 : memref<6400xi32, #tpu.memory_space<vmem>>)
      %dma_wait3A_99 = arith.constant 0 : i32
      %dma_wait3A_100 = tpu.memref_slice %arg4[%dma_wait3A_99] : memref<320000xf32, #tpu.memory_space<hbm>> -> memref<6400xf32, #tpu.memory_space<hbm>>
      %dma_wait3A_101 = arith.constant 0 : i32
      %dma_wait3A_102 = tpu.memref_slice %arg4[%dma_wait3A_101] : memref<320000xf32, #tpu.memory_space<hbm>> -> memref<6400xf32, #tpu.memory_space<hbm>>
      tpu.wait_dma2 semaphore(%arg19 : memref<!tpu.dma_semaphore, #tpu.memory_space<semaphore_mem>>) src(%dma_wait3A_102 : memref<6400xf32, #tpu.memory_space<hbm>>) dst(%arg17 : memref<6400xf32, #tpu.memory_space<vmem>>)
      %parallel_loop3A_103 = arith.constant 0 : i32
      %parallel_loop3A_104 = arith.constant 400 : i32
      %parallel_loop3A_105 = arith.constant 1 : i32
      scf.for %parallel_loop3A_114 = %parallel_loop3A_103 to %parallel_loop3A_104 step %parallel_loop3A_105  : i32 {
        %parallel_loop3A_115 = arith.constant 16 : i32
        %parallel_loop3A_116 = arith.muli %parallel_loop3A_114, %parallel_loop3A_115 : i32
        %parallel_loop3A_117 = arith.index_cast %parallel_loop3A_116 : i32 to index
        %parallel_loop3A_118 = tpu.vector_load %arg15[%parallel_loop3A_117] {strides = array<i32>} : memref<6400xi32, #tpu.memory_space<vmem>>, vector<16xi32>,
        %parallel_loop3A_119 = arith.constant 16 : i32
        %parallel_loop3A_120 = vector.broadcast %parallel_loop3A_119 : i32 to vector<16xi32>
        %parallel_loop3A_121 = arith.shrui %parallel_loop3A_118, %parallel_loop3A_120 : vector<16xi32>
        %parallel_loop3A_122 = arith.constant 65535 : i32
        %parallel_loop3A_123 = vector.broadcast %parallel_loop3A_122 : i32 to vector<16xi32>
        %parallel_loop3A_124 = arith.andi %parallel_loop3A_118, %parallel_loop3A_123 : vector<16xi32>
        %parallel_loop3A_125 = arith.constant 16 : i32
        %parallel_loop3A_126 = arith.muli %parallel_loop3A_114, %parallel_loop3A_125 : i32
        %parallel_loop3A_127 = arith.index_cast %parallel_loop3A_126 : i32 to index
        %parallel_loop3A_128 = tpu.vector_load %arg17[%parallel_loop3A_127] {strides = array<i32>} : memref<6400xf32, #tpu.memory_space<vmem>>, vector<16xf32>,
        %parallel_loop3A_129 = tpu.vector_load_idx %arg10[%parallel_loop3A_121] : memref<10000xf32, #tpu.memory_space<vmem>>[vector<16xi32>], vector<16xf32>,
        %parallel_loop3A_130 = arith.mulf %parallel_loop3A_129, %parallel_loop3A_128 : vector<16xf32>
        tpu.vector_store_idx %arg6[%parallel_loop3A_124], %parallel_loop3A_130 {add = true} : memref<10000xf32, #tpu.memory_space<vmem>>[vector<16xi32>], vector<16xf32>,
        %parallel_loop3A_131 = tpu.vector_load_idx %arg11[%parallel_loop3A_121] : memref<10000xf32, #tpu.memory_space<vmem>>[vector<16xi32>], vector<16xf32>,
        %parallel_loop3A_132 = arith.mulf %parallel_loop3A_131, %parallel_loop3A_128 : vector<16xf32>
        tpu.vector_store_idx %arg7[%parallel_loop3A_124], %parallel_loop3A_132 {add = true} : memref<10000xf32, #tpu.memory_space<vmem>>[vector<16xi32>], vector<16xf32>,
        %parallel_loop3A_133 = tpu.vector_load_idx %arg12[%parallel_loop3A_121] : memref<10000xf32, #tpu.memory_space<vmem>>[vector<16xi32>], vector<16xf32>,
        %parallel_loop3A_134 = arith.mulf %parallel_loop3A_133, %parallel_loop3A_128 : vector<16xf32>
        tpu.vector_store_idx %arg8[%parallel_loop3A_124], %parallel_loop3A_134 {add = true} : memref<10000xf32, #tpu.memory_space<vmem>>[vector<16xi32>], vector<16xf32>,
        %parallel_loop3A_135 = tpu.vector_load_idx %arg13[%parallel_loop3A_121] : memref<10000xf32, #tpu.memory_space<vmem>>[vector<16xi32>], vector<16xf32>,
        %parallel_loop3A_136 = arith.mulf %parallel_loop3A_135, %parallel_loop3A_128 : vector<16xf32>
        tpu.vector_store_idx %arg9[%parallel_loop3A_124], %parallel_loop3A_136 {add = true} : memref<10000xf32, #tpu.memory_space<vmem>>[vector<16xi32>], vector<16xf32>,
      } {sc.loop_unroll_factor = 8 : i64, sc.parallel_access}
      %add3A_106 = arith.constant 2 : i32
      %add3A_107 = arith.addi %add3A_94, %add3A_106 : i32
      %lt3A_108 = arith.constant 50 : i32
      %lt3A_109 = arith.cmpi slt, %add3A_107, %lt3A_108 : i32
      %convert_element_type3A_110 = arith.extui %lt3A_109 : i1 to i32
      %cond3A_111 = arith.constant 0 : i32
      %cond3A_112 = arith.cmpi ne, %convert_element_type3A_110, %cond3A_111 : i32
      scf.if %cond3A_112 {
        %add3A_114 = arith.constant 2 : i32
        %add3A_115 = arith.addi %add3A_94, %add3A_114 : i32
        %mul3A_116 = arith.constant 6400 : i32
        %mul3A_117 = arith.muli %add3A_115, %mul3A_116 : i32
        %dma_start3A_118 = tpu.memref_slice %arg3[%mul3A_117] : memref<320000xi32, #tpu.memory_space<hbm>> -> memref<6400xi32, #tpu.memory_space<hbm>>
        %dma_start3A_119 = tpu.memref_slice %arg3[%mul3A_117] : memref<320000xi32, #tpu.memory_space<hbm>> -> memref<6400xi32, #tpu.memory_space<hbm>>
        tpu.enqueue_dma source(%dma_start3A_119 : memref<6400xi32, #tpu.memory_space<hbm>>) target(%arg15 : memref<6400xi32, #tpu.memory_space<vmem>>) target_semaphore(%arg19 : memref<!tpu.dma_semaphore, #tpu.memory_space<semaphore_mem>>)
        %dma_start3A_120 = tpu.memref_slice %arg4[%mul3A_117] : memref<320000xf32, #tpu.memory_space<hbm>> -> memref<6400xf32, #tpu.memory_space<hbm>>
        %dma_start3A_121 = tpu.memref_slice %arg4[%mul3A_117] : memref<320000xf32, #tpu.memory_space<hbm>> -> memref<6400xf32, #tpu.memory_space<hbm>>
        tpu.enqueue_dma source(%dma_start3A_121 : memref<6400xf32, #tpu.memory_space<hbm>>) target(%arg17 : memref<6400xf32, #tpu.memory_space<vmem>>) target_semaphore(%arg19 : memref<!tpu.dma_semaphore, #tpu.memory_space<semaphore_mem>>)
      } else {
      }
      %scan3A_113 = arith.constant 0 : i32
      scf.yield %scan3A_113 : i32
    }
    %scan3A_62 = arith.constant 25 : i32
    %add3A_63 = arith.constant 0 : i32
    %add3A_64 = arith.addi %mul3A_2, %add3A_63 : i32
    "tpu.region"() ({
      %run_scoped3A = tpu.sem_alloc : memref<!tpu.dma_semaphore, #tpu.memory_space<semaphore_mem>>
      %dma_start3A_71 = arith.constant 0 : i32
      %dma_start3A_72 = tpu.memref_slice %arg5[%add3A_64, %dma_start3A_71] : memref<128x10000xf32, #tpu.memory_space<hbm>> -> memref<1x10000xf32, #tpu.memory_space<hbm>>
      %dma_start3A_73 = tpu.memref_squeeze %dma_start3A_72 : memref<1x10000xf32, #tpu.memory_space<hbm>> -> memref<10000xf32, #tpu.memory_space<hbm>>
      %dma_start3A_74 = arith.constant 0 : i32
      %dma_start3A_75 = tpu.memref_slice %arg5[%add3A_64, %dma_start3A_74] : memref<128x10000xf32, #tpu.memory_space<hbm>> -> memref<1x10000xf32, #tpu.memory_space<hbm>>
      %dma_start3A_76 = tpu.memref_squeeze %dma_start3A_75 : memref<1x10000xf32, #tpu.memory_space<hbm>> -> memref<10000xf32, #tpu.memory_space<hbm>>
      tpu.enqueue_dma source(%arg6 : memref<10000xf32, #tpu.memory_space<vmem>>) target(%dma_start3A_76 : memref<10000xf32, #tpu.memory_space<hbm>>) target_semaphore(%run_scoped3A : memref<!tpu.dma_semaphore, #tpu.memory_space<semaphore_mem>>)
      %dma_wait3A = arith.constant 0 : i32
      %dma_wait3A_77 = tpu.memref_slice %arg5[%add3A_64, %dma_wait3A] : memref<128x10000xf32, #tpu.memory_space<hbm>> -> memref<1x10000xf32, #tpu.memory_space<hbm>>
      %dma_wait3A_78 = tpu.memref_squeeze %dma_wait3A_77 : memref<1x10000xf32, #tpu.memory_space<hbm>> -> memref<10000xf32, #tpu.memory_space<hbm>>
      %dma_wait3A_79 = arith.constant 0 : i32
      %dma_wait3A_80 = tpu.memref_slice %arg5[%add3A_64, %dma_wait3A_79] : memref<128x10000xf32, #tpu.memory_space<hbm>> -> memref<1x10000xf32, #tpu.memory_space<hbm>>
      %dma_wait3A_81 = tpu.memref_squeeze %dma_wait3A_80 : memref<1x10000xf32, #tpu.memory_space<hbm>> -> memref<10000xf32, #tpu.memory_space<hbm>>
      tpu.wait_dma2 semaphore(%run_scoped3A : memref<!tpu.dma_semaphore, #tpu.memory_space<semaphore_mem>>) src(%arg6 : memref<10000xf32, #tpu.memory_space<vmem>>) dst(%dma_wait3A_81 : memref<10000xf32, #tpu.memory_space<hbm>>)
      tpu.yield
    }) : () -> ()
    %add3A_65 = arith.constant 1 : i32
    %add3A_66 = arith.addi %mul3A_2, %add3A_65 : i32
    "tpu.region"() ({
      %run_scoped3A = tpu.sem_alloc : memref<!tpu.dma_semaphore, #tpu.memory_space<semaphore_mem>>
      %dma_start3A_71 = arith.constant 0 : i32
      %dma_start3A_72 = tpu.memref_slice %arg5[%add3A_66, %dma_start3A_71] : memref<128x10000xf32, #tpu.memory_space<hbm>> -> memref<1x10000xf32, #tpu.memory_space<hbm>>
      %dma_start3A_73 = tpu.memref_squeeze %dma_start3A_72 : memref<1x10000xf32, #tpu.memory_space<hbm>> -> memref<10000xf32, #tpu.memory_space<hbm>>
      %dma_start3A_74 = arith.constant 0 : i32
      %dma_start3A_75 = tpu.memref_slice %arg5[%add3A_66, %dma_start3A_74] : memref<128x10000xf32, #tpu.memory_space<hbm>> -> memref<1x10000xf32, #tpu.memory_space<hbm>>
      %dma_start3A_76 = tpu.memref_squeeze %dma_start3A_75 : memref<1x10000xf32, #tpu.memory_space<hbm>> -> memref<10000xf32, #tpu.memory_space<hbm>>
      tpu.enqueue_dma source(%arg7 : memref<10000xf32, #tpu.memory_space<vmem>>) target(%dma_start3A_76 : memref<10000xf32, #tpu.memory_space<hbm>>) target_semaphore(%run_scoped3A : memref<!tpu.dma_semaphore, #tpu.memory_space<semaphore_mem>>)
      %dma_wait3A = arith.constant 0 : i32
      %dma_wait3A_77 = tpu.memref_slice %arg5[%add3A_66, %dma_wait3A] : memref<128x10000xf32, #tpu.memory_space<hbm>> -> memref<1x10000xf32, #tpu.memory_space<hbm>>
      %dma_wait3A_78 = tpu.memref_squeeze %dma_wait3A_77 : memref<1x10000xf32, #tpu.memory_space<hbm>> -> memref<10000xf32, #tpu.memory_space<hbm>>
      %dma_wait3A_79 = arith.constant 0 : i32
      %dma_wait3A_80 = tpu.memref_slice %arg5[%add3A_66, %dma_wait3A_79] : memref<128x10000xf32, #tpu.memory_space<hbm>> -> memref<1x10000xf32, #tpu.memory_space<hbm>>
      %dma_wait3A_81 = tpu.memref_squeeze %dma_wait3A_80 : memref<1x10000xf32, #tpu.memory_space<hbm>> -> memref<10000xf32, #tpu.memory_space<hbm>>
      tpu.wait_dma2 semaphore(%run_scoped3A : memref<!tpu.dma_semaphore, #tpu.memory_space<semaphore_mem>>) src(%arg7 : memref<10000xf32, #tpu.memory_space<vmem>>) dst(%dma_wait3A_81 : memref<10000xf32, #tpu.memory_space<hbm>>)
      tpu.yield
    }) : () -> ()
    %add3A_67 = arith.constant 2 : i32
    %add3A_68 = arith.addi %mul3A_2, %add3A_67 : i32
    "tpu.region"() ({
      %run_scoped3A = tpu.sem_alloc : memref<!tpu.dma_semaphore, #tpu.memory_space<semaphore_mem>>
      %dma_start3A_71 = arith.constant 0 : i32
      %dma_start3A_72 = tpu.memref_slice %arg5[%add3A_68, %dma_start3A_71] : memref<128x10000xf32, #tpu.memory_space<hbm>> -> memref<1x10000xf32, #tpu.memory_space<hbm>>
      %dma_start3A_73 = tpu.memref_squeeze %dma_start3A_72 : memref<1x10000xf32, #tpu.memory_space<hbm>> -> memref<10000xf32, #tpu.memory_space<hbm>>
      %dma_start3A_74 = arith.constant 0 : i32
      %dma_start3A_75 = tpu.memref_slice %arg5[%add3A_68, %dma_start3A_74] : memref<128x10000xf32, #tpu.memory_space<hbm>> -> memref<1x10000xf32, #tpu.memory_space<hbm>>
      %dma_start3A_76 = tpu.memref_squeeze %dma_start3A_75 : memref<1x10000xf32, #tpu.memory_space<hbm>> -> memref<10000xf32, #tpu.memory_space<hbm>>
      tpu.enqueue_dma source(%arg8 : memref<10000xf32, #tpu.memory_space<vmem>>) target(%dma_start3A_76 : memref<10000xf32, #tpu.memory_space<hbm>>) target_semaphore(%run_scoped3A : memref<!tpu.dma_semaphore, #tpu.memory_space<semaphore_mem>>)
      %dma_wait3A = arith.constant 0 : i32
      %dma_wait3A_77 = tpu.memref_slice %arg5[%add3A_68, %dma_wait3A] : memref<128x10000xf32, #tpu.memory_space<hbm>> -> memref<1x10000xf32, #tpu.memory_space<hbm>>
      %dma_wait3A_78 = tpu.memref_squeeze %dma_wait3A_77 : memref<1x10000xf32, #tpu.memory_space<hbm>> -> memref<10000xf32, #tpu.memory_space<hbm>>
      %dma_wait3A_79 = arith.constant 0 : i32
      %dma_wait3A_80 = tpu.memref_slice %arg5[%add3A_68, %dma_wait3A_79] : memref<128x10000xf32, #tpu.memory_space<hbm>> -> memref<1x10000xf32, #tpu.memory_space<hbm>>
      %dma_wait3A_81 = tpu.memref_squeeze %dma_wait3A_80 : memref<1x10000xf32, #tpu.memory_space<hbm>> -> memref<10000xf32, #tpu.memory_space<hbm>>
      tpu.wait_dma2 semaphore(%run_scoped3A : memref<!tpu.dma_semaphore, #tpu.memory_space<semaphore_mem>>) src(%arg8 : memref<10000xf32, #tpu.memory_space<vmem>>) dst(%dma_wait3A_81 : memref<10000xf32, #tpu.memory_space<hbm>>)
      tpu.yield
    }) : () -> ()
    %add3A_69 = arith.constant 3 : i32
    %add3A_70 = arith.addi %mul3A_2, %add3A_69 : i32
    "tpu.region"() ({
      %run_scoped3A = tpu.sem_alloc : memref<!tpu.dma_semaphore, #tpu.memory_space<semaphore_mem>>
      %dma_start3A_71 = arith.constant 0 : i32
      %dma_start3A_72 = tpu.memref_slice %arg5[%add3A_70, %dma_start3A_71] : memref<128x10000xf32, #tpu.memory_space<hbm>> -> memref<1x10000xf32, #tpu.memory_space<hbm>>
      %dma_start3A_73 = tpu.memref_squeeze %dma_start3A_72 : memref<1x10000xf32, #tpu.memory_space<hbm>> -> memref<10000xf32, #tpu.memory_space<hbm>>
      %dma_start3A_74 = arith.constant 0 : i32
      %dma_start3A_75 = tpu.memref_slice %arg5[%add3A_70, %dma_start3A_74] : memref<128x10000xf32, #tpu.memory_space<hbm>> -> memref<1x10000xf32, #tpu.memory_space<hbm>>
      %dma_start3A_76 = tpu.memref_squeeze %dma_start3A_75 : memref<1x10000xf32, #tpu.memory_space<hbm>> -> memref<10000xf32, #tpu.memory_space<hbm>>
      tpu.enqueue_dma source(%arg9 : memref<10000xf32, #tpu.memory_space<vmem>>) target(%dma_start3A_76 : memref<10000xf32, #tpu.memory_space<hbm>>) target_semaphore(%run_scoped3A : memref<!tpu.dma_semaphore, #tpu.memory_space<semaphore_mem>>)
      %dma_wait3A = arith.constant 0 : i32
      %dma_wait3A_77 = tpu.memref_slice %arg5[%add3A_70, %dma_wait3A] : memref<128x10000xf32, #tpu.memory_space<hbm>> -> memref<1x10000xf32, #tpu.memory_space<hbm>>
      %dma_wait3A_78 = tpu.memref_squeeze %dma_wait3A_77 : memref<1x10000xf32, #tpu.memory_space<hbm>> -> memref<10000xf32, #tpu.memory_space<hbm>>
      %dma_wait3A_79 = arith.constant 0 : i32
      %dma_wait3A_80 = tpu.memref_slice %arg5[%add3A_70, %dma_wait3A_79] : memref<128x10000xf32, #tpu.memory_space<hbm>> -> memref<1x10000xf32, #tpu.memory_space<hbm>>
      %dma_wait3A_81 = tpu.memref_squeeze %dma_wait3A_80 : memref<1x10000xf32, #tpu.memory_space<hbm>> -> memref<10000xf32, #tpu.memory_space<hbm>>
      tpu.wait_dma2 semaphore(%run_scoped3A : memref<!tpu.dma_semaphore, #tpu.memory_space<semaphore_mem>>) src(%arg9 : memref<10000xf32, #tpu.memory_space<vmem>>) dst(%dma_wait3A_81 : memref<10000xf32, #tpu.memory_space<hbm>>)
      tpu.yield
    }) : () -> ()
    return
  }
}

</mosaic_0001>

<sc_bundles>
// kernel: kernel.3.cloned.1.call-start
scs
__scs_entry_jumppad:
0x0: {  	(pc) =	sbr.rel $0x88, $3  }
0x1: {  	(tag) =	ssettag $0x0;
	lr =	simm.s32 $0x1  }
0x2: {  	[smem:$0x3F9E] =	sst lr;
	_ =	strace $0xD0000000  }
0x3: {  	_ = 	snop  }
0x4: {  	_ = 	snop  }
0x5: {  	_ = 	snop  }
0x6: {  	_ = 	snop  }
0x7: {  	_ = 	snop  }
__scs_overlays_trampoline_lowered:
0x8: {  	[smem:$0x3FAD] =	sst s0  }
0x9: {  	[smem:$0x3FAE] =	sst s1  }
0xa: {  	[smem:$0x3FAF] =	sst s2  }
0xb: {  	[smem:$0x3FB0] =	sst s3  }
0xc: {  	[smem:$0x3FB1] =	sst s4  }
0xd: {  	[smem:$0x3FB2] =	sst s5  }
0xe: {  	[smem:$0x3FB3] =	sst s6  }
0xf: {  	[smem:$0x3FB4] =	sst s7  }
0x10: {  	[smem:$0x3FB5] =	sst s8  }
0x11: {  	[smem:$0x3FB6] =	sst s9;
	s0 =	simm.s32 @!p0 $0x0  }
0x12: {  	s1 =	sld [smem:$0x3F9C];
	s0 =	simm.s32 @p0 $0x1  }
0x13: {  	[smem:$0x3FB7] =	sst s0;
	s0 =	simm.s32 @!p1 $0x0  }
0x14: {  	s2 =	sld [smem:$0x3F9B];
	s0 =	simm.s32 @p1 $0x1  }
0x15: {  	[smem:$0x3FB8] =	sst s0;
	s0 =	simm.s32 @!p2 $0x0  }
0x16: {  	s3 =	sld [smem:$0x3FDB];
	s0 =	simm.s32 @p2 $0x1  }
0x17: {  	s4 =	simm.s32 $0x1BF5;
	[smem:$0x3FBA] =	sst s0  }
0x18: {  	s0 =	sld [smem:$0x3F9D];
	_ =	swait.ge [sflag:s4], $0x0  }
0x19: {  	s7 =	sld [smem:$0x3F9E]  }
0x1a: {  	s8 =	sadd.s32 $0xFFFFE003, lr  }
0x1b: {  	s9 =	sadd.s32 $0xFFFFFEF7, lr;
	s5 =	simm.s32 $0xFFFFFFFF;
	p2 =	slt.u32 s8, $0xFFFFF086  }
0x1c: {  	p1 =	slt.u32 s9, $0xF7A;
	s5 =	simm.s32 @!p2 $0x0  }
0x1d: {  	s5 =	simm.s32 @p1 $0x1;
	p0 =	seq.s32 s7, s2  }
0x1e: {  	s7 =	smul.u32 @!p0 $0xF7A, s2;
	p2 =	seq.s32 @!p0 s5, $0x0  }
0x1f: {  	s9 =	smul.u32 $0xF7A, s1;
	s8 =	simm.s32 @!p0 $0x1BF5;
	p2 =	por !p2, p0  }
0x20: {  	[sflag:s8] =	ssyncset.s32 @!p0 $0xFFFFF086;
	s6 =	sadd.s32 @!p0 s3, s7;
	s7 =	simm.s32 @!p0 $0x108  }
0x21: {  	s3 =	sadd.s32 s3, s9;
	s6 =	sadd.s32 @!p0 $0x88, s6;
	s7 =	simm.s32 @p2 $0x1082  }
0x22: {  	[simem:s7], [sflag:s8] =	dma.local @!p0 [hbm:s6], $0xF7A  }
0x23: {  	s9 =	sor.u32 $0xD0000000, s2;
	s6 =	simm.s32 $0x108;
	_ =	swait.ge @!p0 [sflag:s8], $0x0  }
0x24: {  	s3 =	sadd.s32 $0x88, s3;
	s6 =	simm.s32 @!p1 $0x1082;
	[sflag:s4] =	ssyncset.s32 $0xFFFFF086  }
0x25: {  	[simem:s6], [sflag:s4] =	dma.local [hbm:s3], $0xF7A  }
0x26: {  	[smem:$0x3F9E] =	sst s1;
	(tag) =	ssettag s2;
	_ =	strace s9  }
0x27: {  	s1 =	sld [smem:$0x3FAE]  }
0x28: {  	s2 =	sld [smem:$0x3FAF]  }
0x29: {  	s4 =	sld [smem:$0x3FB1]  }
0x2a: {  	p0 =	seq.s32 s5, $0x0;
	s5 =	sld [smem:$0x3FB2]  }
0x2b: {  	s6 =	sld [smem:$0x3FB3]  }
0x2c: {  	s7 =	sld [smem:$0x3FB4]  }
0x2d: {  	s3 =	simm.s32 $0x108;
	s8 =	sld [smem:$0x3FB5]  }
0x2e: {  	s3 =	simm.s32 @!p0 $0x1082;
	s9 =	sld [smem:$0x3FB6]  }
0x2f: {  	lr =	sadd.s32 s0, s3;
	s0 =	sld [smem:$0x3FAD]  }
0x30: {  	s3 =	sld [smem:$0x3FB0]  }
0x31: {  	[smem:$0x3FB9] =	sst s10  }
0x32: {  	s10 =	sld [smem:$0x3FB7];
	_ =	sdelay $0x3  }
0x33: {  	p0 =	seq.s32 s10, $0x1;
	s10 =	sld [smem:$0x3FB9];
	_ =	sdelay $0x3  }
0x34: {  	[smem:$0x3FB9] =	sst s10  }
0x35: {  	s10 =	sld [smem:$0x3FB8];
	_ =	sdelay $0x3  }
0x36: {  	p1 =	seq.s32 s10, $0x1;
	s10 =	sld [smem:$0x3FB9];
	_ =	sdelay $0x3  }
0x37: {  	[smem:$0x3FB9] =	sst s10  }
0x38: {  	s10 =	sld [smem:$0x3FBA]  }
0x39: {  	_ = 	snop;
	(pc) =	sbr.ind lr, $3  }
0x3a: {  	_ = 	snop  }
0x3b: {  	_ = 	snop  }
0x3c: {  	p2 =	seq.s32 s10, $0x1;
	s10 =	sld [smem:$0x3FB9]  }
0x3d: {  	_ =	shalt  }
0x3e: {  	_ =	shalt  }
0x3f: {  	_ =	shalt  }
0x40: {  	_ =	shalt  }
0x41: {  	_ =	shalt  }
0x42: {  	_ =	shalt  }
0x43: {  	_ =	shalt  }
0x44: {  	_ =	shalt  }
0x45: {  	_ =	shalt  }
0x46: {  	_ =	shalt  }
0x47: {  	_ =	shalt  }
0x48: {  	_ =	shalt  }
0x49: {  	_ =	shalt  }
0x4a: {  	_ =	shalt  }
0x4b: {  	_ =	shalt  }
0x4c: {  	_ =	shalt  }
0x4d: {  	_ =	shalt  }
0x4e: {  	_ =	shalt  }
0x4f: {  	_ =	shalt  }
0x50: {  	_ =	shalt  }
0x51: {  	_ =	shalt  }
0x52: {  	_ =	shalt  }
0x53: {  	_ =	shalt  }
0x54: {  	_ =	shalt  }
0x55: {  	_ =	shalt  }
0x56: {  	_ =	shalt  }
0x57: {  	_ =	shalt  }
0x58: {  	_ =	shalt  }
0x59: {  	_ =	shalt  }
0x5a: {  	_ =	shalt  }
0x5b: {  	_ =	shalt  }
0x5c: {  	_ =	shalt  }
0x5d: {  	_ =	shalt  }
0x5e: {  	_ =	shalt  }
0x5f: {  	_ =	shalt  }
0x60: {  	_ =	shalt  }
0x61: {  	_ =	shalt  }
0x62: {  	_ =	shalt  }
0x63: {  	_ =	shalt  }
0x64: {  	_ =	shalt  }
0x65: {  	_ =	shalt  }
0x66: {  	_ =	shalt  }
0x67: {  	_ =	shalt  }
0x68: {  	_ =	shalt  }
0x69: {  	_ =	shalt  }
0x6a: {  	_ =	shalt  }
0x6b: {  	_ =	shalt  }
0x6c: {  	_ =	shalt  }
0x6d: {  	_ =	shalt  }
0x6e: {  	_ =	shalt  }
0x6f: {  	_ =	shalt  }
0x70: {  	_ =	shalt  }
0x71: {  	_ =	shalt  }
0x72: {  	_ =	shalt  }
0x73: {  	_ =	shalt  }
0x74: {  	_ =	shalt  }
0x75: {  	_ =	shalt  }
0x76: {  	_ =	shalt  }
0x77: {  	_ =	shalt  }
0x78: {  	_ =	shalt  }
0x79: {  	_ =	shalt  }
0x7a: {  	_ =	shalt  }
0x7b: {  	_ =	shalt  }
0x7c: {  	_ =	shalt  }
0x7d: {  	_ =	shalt  }
0x7e: {  	_ =	shalt  }
0x7f: {  	_ =	shalt  }
0x80: {  	_ =	shalt  }
0x81: {  	_ =	shalt  }
0x82: {  	_ =	shalt  }
0x83: {  	_ =	shalt  }
0x84: {  	_ =	shalt  }
0x85: {  	_ =	shalt  }
0x86: {  	_ =	shalt  }
0x87: {  	_ =	shalt  }
.Lfunc_end0:
.L_simem_size_0:
called_computation_lowered:
.L_overlay_start_0:
0x88: {  	s2 =	sld [smem:$0x3FD9]  }
0x89: {  	s3 =	sld [smem:$0x3FFE];
	_ =	sdelay $0x1  }
0x8a: {  	s1 =	srdreg.scid  }
0x8b: {  	s0 =	sand.u32 $0x1, s1  }
0x8c: {  	s17 =	sshll.u32 s0, $0xA;
	s2 =	sadd.s32 s3, s2  }
0x8d: {  	s2 =	sadd.s32 s2, s17  }
0x8e: {  	[smem:$0x3FC5] =	sst s2  }
0x8f: {  	_ = 	snop  }
0x90: {  	s2 =	sld [smem:$0x3FC7]  }
0x91: {  	s18 =	sld [smem:$0x3FD0];
	(tm) =	ssettm $0x1  }
0x92: {  	s4 =	sld [smem:$0x3FFB];
	_ =	sdelay $0x3  }
0x93: {  	_ =	strace s4  }
0x94: {  	s4 =	sld [smem:$0x3FFC];
	_ =	sdelay $0x3  }
0x95: {  	_ =	strace s4  }
0x96: {  	s4 =	sld [smem:$0x3FFD];
	_ =	sdelay $0x3  }
0x97: {  	_ =	strace s4  }
0x98: {  	_ =	strace $0x8FFFFFFF  }
0x99: {  	s19 =	sld [smem:$0x3FDB];
	_ =	sdelay $0x1  }
0x9a: {  	s5 =	simm.s32 $_scs_section_size  }
0x9b: {  	s6 =	simm.s32 $_size__tile_overlayer_lowered;
	s7 =	simm.s32 $_tile_overlayer_lowered  }
0x9c: {  	s22 =	simm.s32 $0x1BFF;
	s21 =	sshll.u32 s7, $0x1;
	s4 =	sadd.s32 s5, s19  }
0x9d: {  	s8 =	simm.s32 $0x0;
	s20 =	sshll.u32 s6, $0x1;
	s6 =	sadd.s32 s21, s4  }
0x9e: {  	[timem:s8], [sflag:s22] =	dma.local [hbm:s6], s20  }
0x9f: {  	_ =	swait.ge [sflag:s22], s20  }
0xa0: {  	s5 =	ssub.s32 $0x0, s20;
	[sflag:s22] =	ssyncset.done $0x0  }
0xa1: {  	[sflag:s22] =	ssyncadd.s32 s5;
	_ =	sdelay $0x1  }
0xa2: {  	s23 =	simm.s32 $0x1B8B  }
0xa3: {  	_ =	swait.ge [sflag:s23], $0x1  }
0xa4: {  	[sflag:s23] =	ssyncset.done $0x0  }
0xa5: {  	s25 =	simm.s32 $0x1B8E;
	s24 =	sld [smem:$0x3FFE];
	[sflag:s23] =	ssyncadd.s32 $0xFFFFFFFF  }
0xa6: {  	s26 =	simm.s32 $execute0_lowered;
	[smem:$0x3FD2] =	sst s25  }
0xa7: {  	s6 =	sshll.u32 s26, $0x1;
	_ =	strace $0x80000046;
	[dreg:$0x1] =	wrdreg $0xFFFFFFFF  }
0xa8: {  	s28 =	simm.s32 $_size_execute0_lowered;
	s4 =	sadd.s32 s4, s6;
	[dreg:$0x0] =	wrdreg $0x0  }
0xa9: {  	s6 =	sshll.u32 s28, $0x1;
	[dreg:$0x2] =	wrdreg s4  }
0xaa: {  	[dreg:$0x3] =	wrdreg s6  }
0xab: {  	[dreg:$0x4] =	wrdreg $0xC0  }
0xac: {  	_ =	task [dreg:s8], $0x5FFFF  }
0xad: {  	[dreg:$0x1] =	wrdreg $0xFFFFFFFF  }
0xae: {  	[dreg:$0x0] =	wrdreg $0x60  }
0xaf: {  	[dreg:$0x2] =	wrdreg s24  }
0xb0: {  	[dreg:$0x3] =	wrdreg s18  }
0xb1: {  	[dreg:$0x4] =	wrdreg s2  }
0xb2: {  	[dreg:$0x5] =	wrdreg $0x9  }
0xb3: {  	_ =	task.clear_ibuf [dreg:s8], $0x6FFFF;
	_ =	strace $0x90000046  }
0xb4: {  	s29 =	simm.s32 $0x9;
	_ =	strace $0x80000048  }
0xb5: {  	_ =	swait.ge [sflag:s29], $0x1  }
0xb6: {  	[sflag:s29] =	ssyncadd.s32 $0xFFFFFFFF  }
0xb7: {  	_ =	strace $0x90000048  }
0xb8: {  	_ =	sfence  }
0xb9: {  	s30 =	sld [smem:$0x0];
	_ =	sdelay $0x2  }
0xba: {  	s31 =	sshll.u32 s1, $0xD;
	s1 =	sshrl.u32 s1, $0x2  }
0xbb: {  	s3 =	sand.u32 $0x4000, s31;
	s1 =	sadd.s32 s1, s30  }
0xbc: {  	s0 =	sor.u32 s3, s0;
	s1 =	sshll.u32 s1, $0x11  }
0xbd: {  	s0 =	sor.u32 s1, s0  }
0xbe: {  	s0 =	sadd.s32 $0x8F2B, s0  }
0xbf: {  	[sflag:s0] =	ssyncadd.remote.s32 $0x1  }
0xc0: {  	_ =	sfence.sel $0xFFFF  }
0xc1: {  	[dreg:$0x0] =	wrdreg $0xFFFFFFFF;
	(pc) =	sbr.abs _section_cstart, $3  }
0xc2: {  	[dreg:$0x1] =	wrdreg $0xFFFFFFFF  }
0xc3: {  	_ =	task.clear_ibuf [dreg:s8], $0x2FFFF;
	_ =	strace $0x9FFFFFFF  }
0xc4: {  	(tm) =	ssettm $0x7FFFFFFF  }
0xc5: {  	_ =	shalt  }
tec
execute0_lowered:
.L_overlay_start_1:
0x0: {  	(tag) =	ssettag $0x1  }
0x1: {  	s0 =	srdreg.scid  }
0x2: {  	s4 =	stileid.u32;
	s5 =	rddreg [dreg:$0x0]  }
0x3: {  	s3 =	rddreg [dreg:$0x2];
	s16 =	simm.s32 $0x80;
	s17 =	simm.s32 $0x400  }
0x4: {  	s18 =	simm.s32 $0x3;
	s19 =	simm.s32 $0x2780;
	s20 =	simm.s32 $0x4F00  }
0x5: {  	s21 =	simm.s32 $0x7680;
	s28 =	simm.s32 $0x9E00;
	s0 =	sand.u32 $0x1, s0  }
0x6: {  	s29 =	simm.s32 $0xC580;
	s2 =	sshll.u32 s4, $0x2;
	s1 =	sshll.u32 s0, $0x6  }
0x7: {  	s30 =	simm.s32 $0xED00;
	s31 =	simm.s32 $0x11480;
	s1 =	sor.u32 s2, s1  }
0x8: {  	s6 =	sshll.u32 s4, $0x9;
	s4 =	simm.s32 $0x0;
	s1 =	sshrl.u32 s1, $0x3  }
0x9: {  	s7 =	sadd.s32 $0x27800, s5;
	s10 =	sadd.s32 $0x320, s3;
	s1 =	smul.u32 $0x13C00, s1  }
0xa: {  	s6 =	sand.u32 $0x200, s6;
	[smem:$0x7FF] =	sst s4;
	s0 =	ssub.s32 $0x2, s0  }
0xb: {  	s2 =	rddreg [dreg:$0x1];
	s23 =	sshrl.u32 s0, $0x1;
	s1 =	sor.u32 s6, s1  }
0xc: {  	_ =	strace $0x80000047;
	s0 =	ssub.s32 s0, s23;
	s1 =	sshrl.u32 s1, $0x3  }
0xd: {  	s15 =	smax.u32 s0, $0x1;
	s0 =	simm.s32 $0x0;
	s24 =	sadd.s32 s5, s1  }
0xe: {  	s25 =	sor.u32 $0x10, s1;
	s8 =	sor.u32 $0x20, s1;
	s11 =	sor.u32 $0x30, s1  }
0xf: {  	s1 =	sadd.s32 s7, s1;
	[dreg:$0x4] =	wrdreg s24;
	s9 =	sadd.s32 s5, s25  }
.Ltmp0:
0x10: {  	s26 =	sadd.s32 s5, s8;
	s5 =	sadd.s32 s5, s11;
	(pc) =	sbr.rel .LBB2_1-.Ltmp0, $4  }
0x11: {  	[dreg:$0x8] =	wrdreg s1;
	s12 =	sadd.s32 s7, s25;
	s13 =	sadd.s32 s7, s8  }
0x12: {  	s14 =	sadd.s32 s7, s11;
	s24 =	simm.s32 $0x15500;
	[dreg:$0x5] =	wrdreg s9  }
0x13: {  	s25 =	simm.s32 $0x18700;
	s1 =	simm.s32 $0x2;
	[dreg:$0x6] =	wrdreg s26  }
0x14: {  	v0 =	vimm.f32 $0.0e+00;
	[dreg:$0x7] =	wrdreg s5;
	s9 =	sadd.s32 $0x320, s2;
	s26 =	simm.s32 $0x1  }
.LBB2_18:
0x15: {  	s5 =	rddreg [dreg:$0x8]  }
0x16: {  	[hbm4b:s5+s16] =	stream.strided.scatter [tilespmem:s4], [sflag:$0x3], $0x2780, s17, s16, $0x38;
	[tilespmem:$0x1A000] =	vst v63  }
0x17: {  	_ =	swait.ge [sflag:s18], $0x2780  }
0x18: {  	[sflag:s18] =	ssyncset.done $0x0  }
0x19: {  	[sflag:s18] =	ssyncadd.s32 $0xFFFFD880  }
0x1a: {  	[hbm4b:s12+s16] =	stream.strided.scatter [tilespmem:s19], [sflag:$0x3], $0x2780, s17, s16, $0x38;
	[tilespmem:$0x1A000] =	vst v63  }
0x1b: {  	_ =	swait.ge [sflag:s18], $0x2780  }
0x1c: {  	[sflag:s18] =	ssyncset.done $0x0  }
0x1d: {  	[sflag:s18] =	ssyncadd.s32 $0xFFFFD880  }
0x1e: {  	[hbm4b:s13+s16] =	stream.strided.scatter [tilespmem:s20], [sflag:$0x3], $0x2780, s17, s16, $0x38;
	[tilespmem:$0x1A000] =	vst v63  }
0x1f: {  	s0 =	sadd.s32 $0x1, s0;
	_ =	swait.ge [sflag:s18], $0x2780  }
0x20: {  	p0 =	sne.s32 s0, s15;
	[sflag:s18] =	ssyncset.done $0x0  }
.Ltmp1:
0x21: {  	[sflag:s18] =	ssyncadd.s32 $0xFFFFD880;
	(pc) =	sbr.rel @!p0 .LBB2_19-.Ltmp1, $4  }
0x22: {  	[hbm4b:s14+s16] =	stream.strided.scatter [tilespmem:s21], [sflag:$0x3], $0x2780, s17, s16, $0x38;
	[tilespmem:$0x1A000] =	vst v63  }
0x23: {  	_ =	swait.ge [sflag:s18], $0x2780  }
0x24: {  	[sflag:s18] =	ssyncset.done $0x0  }
0x25: {  	[sflag:s18] =	ssyncadd.s32 $0xFFFFD880  }
.LBB2_1:
0x26: {  	s5 =	rddreg [dreg:$0x4]  }
0x27: {  	[tilespmem:s4], [sflag:$0x3] =	stream.strided.gather [hbm4b:s5+s16], $0x2780, s17, s16, $0x38;
	[tilespmem:$0x1A000] =	vst v63  }
0x28: {  	_ =	swait.ge [sflag:s18], $0x2780  }
0x29: {  	[sflag:s18] =	ssyncset.done $0x0  }
0x2a: {  	s11 =	rddreg [dreg:$0x5];
	[sflag:s18] =	ssyncadd.s32 $0xFFFFD880  }
0x2b: {  	[tilespmem:s19], [sflag:$0x3] =	stream.strided.gather [hbm4b:s11+s16], $0x2780, s17, s16, $0x38;
	[tilespmem:$0x1A000] =	vst v63  }
0x2c: {  	_ =	swait.ge [sflag:s18], $0x2780  }
0x2d: {  	[sflag:s18] =	ssyncset.done $0x0  }
0x2e: {  	s22 =	rddreg [dreg:$0x6];
	[sflag:s18] =	ssyncadd.s32 $0xFFFFD880  }
0x2f: {  	[tilespmem:s20], [sflag:$0x3] =	stream.strided.gather [hbm4b:s22+s16], $0x2780, s17, s16, $0x38;
	[tilespmem:$0x1A000] =	vst v63  }
0x30: {  	_ =	swait.ge [sflag:s18], $0x2780  }
0x31: {  	[sflag:s18] =	ssyncset.done $0x0  }
0x32: {  	s23 =	rddreg [dreg:$0x7];
	[sflag:s18] =	ssyncadd.s32 $0xFFFFD880  }
0x33: {  	[tilespmem:s21], [sflag:$0x3] =	stream.strided.gather [hbm4b:s23+s16], $0x2780, s17, s16, $0x38;
	[tilespmem:$0x1A000] =	vst v63  }
0x34: {  	_ =	swait.ge [sflag:s18], $0x2780  }
0x35: {  	[sflag:s18] =	ssyncset.done $0x0  }
0x36: {  	s22 =	simm.s32 $0x9E40;
	[sflag:s18] =	ssyncadd.s32 $0xFFFFD880  }
0x37: {  	[tilespmem:s22+$0x30] =	vst v0  }
0x38: {  	[tilespmem:s22+$0xFFFFFFE0] =	vst v0  }
0x39: {  	[tilespmem:s22+$0xFFFFFFF0] =	vst v0  }
0x3a: {  	[tilespmem:s22+$0x0] =	vst v0  }
0x3b: {  	[tilespmem:s22+$0xFFFFFFC0] =	vst v0  }
0x3c: {  	[tilespmem:s22+$0x10] =	vst v0  }
0x3d: {  	[tilespmem:s22+$0x20] =	vst v0  }
0x3e: {  	s6 =	simm.s32 $0xC5C0;
	[tilespmem:s22+$0xFFFFFFD0] =	vst v0  }
0x3f: {  	[tilespmem:s6+$0x30] =	vst v0  }
0x40: {  	[tilespmem:s6+$0xFFFFFFC0] =	vst v0  }
0x41: {  	[tilespmem:s6+$0x10] =	vst v0  }
0x42: {  	[tilespmem:s6+$0xFFFFFFD0] =	vst v0  }
0x43: {  	[tilespmem:s6+$0x20] =	vst v0  }
0x44: {  	[tilespmem:s6+$0x0] =	vst v0  }
0x45: {  	s5 =	simm.s32 $0xED40;
	[tilespmem:s6+$0xFFFFFFF0] =	vst v0  }
0x46: {  	[tilespmem:s5+$0x30] =	vst v0  }
0x47: {  	[tilespmem:s5+$0xFFFFFFC0] =	vst v0  }
0x48: {  	[tilespmem:s5+$0x10] =	vst v0  }
0x49: {  	[tilespmem:s5+$0xFFFFFFD0] =	vst v0  }
0x4a: {  	[tilespmem:s5+$0x20] =	vst v0  }
0x4b: {  	[tilespmem:s5+$0x0] =	vst v0  }
0x4c: {  	s23 =	simm.s32 $0x114C0;
	[tilespmem:s5+$0xFFFFFFF0] =	vst v0  }
0x4d: {  	[tilespmem:s23+$0x30] =	vst v0  }
0x4e: {  	[tilespmem:s23+$0xFFFFFFC0] =	vst v0  }
0x4f: {  	[tilespmem:s23+$0x10] =	vst v0  }
0x50: {  	[tilespmem:s23+$0xFFFFFFD0] =	vst v0  }
0x51: {  	s7 =	simm.s32 $0x0;
	s8 =	simm.s32 $0xEDC0;
	s11 =	simm.s32 $0x11540;
	[tilespmem:s23+$0x20] =	vst v0  }
.LBB2_2:
0x52: {  	s7 =	sadd.s32 $0x8, s7;
	[tilespmem:s6+$0xFFFFFFE0] =	vst v0;
	s22 =	sadd.s32 $0x80, s22;
	s6 =	sadd.s32 $0x80, s6  }
0x53: {  	[tilespmem:s22+$0x30] =	vst v0;
	p0 =	slt.u32 s7, $0x268  }
0x54: {  	[tilespmem:s6+$0x30] =	vst v0  }
0x55: {  	[tilespmem:s8+$0x30] =	vst v0  }
0x56: {  	[tilespmem:s23+$0xFFFFFFF0] =	vst v0  }
0x57: {  	[tilespmem:s23+$0x0] =	vst v0  }
0x58: {  	[tilespmem:s5+$0xFFFFFFE0] =	vst v0;
	s5 =	smov.u32 s8  }
0x59: {  	[tilespmem:s23+$0xFFFFFFE0] =	vst v0;
	s23 =	smov.u32 s11  }
0x5a: {  	[tilespmem:s11+$0x30] =	vst v0  }
0x5b: {  	[tilespmem:s22+$0xFFFFFFE0] =	vst v0  }
0x5c: {  	[tilespmem:s22+$0xFFFFFFF0] =	vst v0  }
0x5d: {  	[tilespmem:s22+$0x0] =	vst v0  }
0x5e: {  	[tilespmem:s22+$0xFFFFFFC0] =	vst v0  }
0x5f: {  	[tilespmem:s6+$0xFFFFFFC0] =	vst v0  }
0x60: {  	[tilespmem:s8+$0xFFFFFFC0] =	vst v0  }
0x61: {  	[tilespmem:s11+$0xFFFFFFC0] =	vst v0  }
0x62: {  	[tilespmem:s22+$0x10] =	vst v0  }
0x63: {  	[tilespmem:s6+$0x10] =	vst v0  }
0x64: {  	[tilespmem:s8+$0x10] =	vst v0  }
0x65: {  	[tilespmem:s11+$0x10] =	vst v0  }
0x66: {  	[tilespmem:s22+$0x20] =	vst v0  }
0x67: {  	[tilespmem:s22+$0xFFFFFFD0] =	vst v0  }
0x68: {  	[tilespmem:s6+$0xFFFFFFD0] =	vst v0  }
0x69: {  	[tilespmem:s8+$0xFFFFFFD0] =	vst v0  }
0x6a: {  	[tilespmem:s11+$0xFFFFFFD0] =	vst v0  }
0x6b: {  	[tilespmem:s6+$0x20] =	vst v0  }
0x6c: {  	[tilespmem:s8+$0x20] =	vst v0  }
.Ltmp2:
0x6d: {  	[tilespmem:s11+$0x20] =	vst v0;
	(pc) =	sbr.rel @p0 .LBB2_2-.Ltmp2, $4  }
0x6e: {  	[tilespmem:s6+$0x0] =	vst v0  }
0x6f: {  	[tilespmem:s8+$0x0] =	vst v0  }
0x70: {  	[tilespmem:s6+$0xFFFFFFF0] =	vst v0  }
0x71: {  	s11 =	sadd.s32 $0x80, s11;
	s8 =	sadd.s32 $0x80, s8;
	[tilespmem:s5+$0xFFFFFFF0] =	vst v0  }
0x72: {  	[tilespmem:s6+$0xFFFFFFE0] =	vst v0  }
0x73: {  	[tilespmem:s23+$0xFFFFFFF0] =	vst v0  }
0x74: {  	[tilespmem:s23+$0x0] =	vst v0  }
0x75: {  	[tilespmem:s5+$0xFFFFFFE0] =	vst v0  }
0x76: {  	[tilespmem:s23+$0xFFFFFFE0] =	vst v0  }
0x77: {  	[tilespmem:$0xC500] =	vst v0  }
0x78: {  	[tilespmem:$0xEC80] =	vst v0  }
0x79: {  	[tilespmem:$0x11400] =	vst v0  }
0x7a: {  	s22 =	simm.s32 $0x0;
	s11 =	simm.s32 $0x13C00;
	[tilespmem:$0x13B80] =	vst v0  }
0x7b: {  	[tilespmem:s11], [sflag:$0x1] =	stream.linear.gather [hbm4b:s2+s22], $0x1900, $0x38;
	[tilespmem:$0x1A000] =	vst v63  }
0x7c: {  	s23 =	simm.s32 $0x16E00  }
0x7d: {  	[tilespmem:s23], [sflag:$0x1] =	stream.linear.gather [hbm4b:s3+s22], $0x1900, $0x38;
	[tilespmem:$0x1A000] =	vst v63  }
0x7e: {  	_ = 	snop  }
0x7f: {  	[tilespmem:s24], [sflag:$0x2] =	stream.linear.gather [hbm4b:s9+s22], $0x1900, $0x38;
	[tilespmem:$0x1A000] =	vst v63  }
0x80: {  	_ = 	snop  }
0x81: {  	[tilespmem:s25], [sflag:$0x2] =	stream.linear.gather [hbm4b:s10+s22], $0x1900, $0x38;
	[tilespmem:$0x1A000] =	vst v63  }
.LBB2_4:
0x82: {  	_ =	swait.ge [sflag:s26], $0x1900  }
0x83: {  	[sflag:s26] =	ssyncset.done $0x0  }
0x84: {  	[sflag:s26] =	ssyncadd.s32 $0xFFFFE700  }
0x85: {  	_ =	swait.ge [sflag:s26], $0x1900  }
0x86: {  	[sflag:s26] =	ssyncset.done $0x0  }
0x87: {  	s5 =	simm.s32 $0x13C40;
	[sflag:s26] =	ssyncadd.s32 $0xFFFFE700  }
0x88: {  	v1 =	vld [tilespmem:s5+$0x30]  }
0x89: {  	v2 =	vld [tilespmem:s5+$0xFFFFFFD0]  }
0x8a: {  	v3 =	vld [tilespmem:s5+$0xFFFFFFE0]  }
0x8b: {  	v4 =	vld [tilespmem:s5+$0xFFFFFFF0]  }
0x8c: {  	v5 =	vld [tilespmem:s5+$0x0]  }
0x8d: {  	v7 =	vld [tilespmem:s5+$0x10]  }
0x8e: {  	v9 =	vld [tilespmem:s5+$0xFFFFFFC0]  }
0x8f: {  	s23 =	simm.s32 $0x16E40;
	v11 =	vld [tilespmem:s5+$0x20];
	v6 =	vshrl.u32 v1, $0x10  }
0x90: {  	v16 =	vld [tilespmem:s23+$0x30]  }
0x91: {  	v26 =	vld [tilespmem:s23+$0xFFFFFFC0]  }
0x92: {  	v27 =	vld [tilespmem:s23+$0xFFFFFFD0]  }
0x93: {  	v28 =	vld [tilespmem:s23+$0xFFFFFFE0]  }
0x94: {  	v8 =	vshrl.u32 v2, $0x10;
	v14 =	vld.idx.msk [tilespmem:v6+s4+$0x0], $0xffff  }
0x95: {  	v29 =	vld [tilespmem:s23+$0xFFFFFFF0];
	v10 =	vshrl.u32 v3, $0x10  }
0x96: {  	v31 =	vld [tilespmem:s23+$0x0];
	v20 =	vand.u32 $0xFFFF, v1  }
0x97: {  	v33 =	vld [tilespmem:s23+$0x10]  }
0x98: {  	v12 =	vshrl.u32 v4, $0x10;
	v35 =	vand.u32 $0xFFFF, v4;
	v4 =	vld [tilespmem:s23+$0x20]  }
0x99: {  	v15 =	vshrl.u32 v7, $0x10;
	v18 =	vld.idx.msk [tilespmem:v8+s4+$0x0], $0xffff;
	v1 =	vmul.f32 v14, v16  }
0x9a: {  	v13 =	vshrl.u32 v5, $0x10;
	v19 =	vld.idx.msk [tilespmem:v10+s4+$0x0], $0xffff  }
0x9b: {  	v22 =	vshrl.u32 v11, $0x10;
	[tilespmem:v20+s28+$0x0] =	vst.idx.add.f32.msk $0xffff, v1  }
0x9c: {  	v17 =	vshrl.u32 v9, $0x10;
	v1 =	vld.idx.msk [tilespmem:v6+s19+$0x0], $0xffff  }
0x9d: {  	v34 =	vand.u32 $0xFFFF, v3;
	v21 =	vld.idx.msk [tilespmem:v12+s4+$0x0], $0xffff  }
0x9e: {  	v24 =	vld.idx.msk [tilespmem:v15+s4+$0x0], $0xffff  }
0x9f: {  	v23 =	vld.idx.msk [tilespmem:v13+s4+$0x0], $0xffff  }
0xa0: {  	v32 =	vand.u32 $0xFFFF, v2;
	v2 =	vand.u32 $0xFFFF, v7;
	v25 =	vld.idx.msk [tilespmem:v22+s4+$0x0], $0xffff;
	v7 =	vmul.f32 v19, v28  }
0xa1: {  	v14 =	vld.idx.msk [tilespmem:v17+s4+$0x0], $0xffff;
	v1 =	vmul.f32 v1, v16  }
0xa2: {  	[tilespmem:v34+s28+$0x0] =	vst.idx.add.f32.msk $0xffff, v7  }
0xa3: {  	v30 =	vand.u32 $0xFFFF, v9;
	v7 =	vmul.f32 v24, v33;
	[tilespmem:v20+s29+$0x0] =	vst.idx.add.f32.msk $0xffff, v1  }
0xa4: {  	v1 =	vand.u32 $0xFFFF, v5;
	v9 =	vld.idx.msk [tilespmem:v6+s20+$0x0], $0xffff  }
0xa5: {  	[tilespmem:v2+s28+$0x0] =	vst.idx.add.f32.msk $0xffff, v7;
	v5 =	vmul.f32 v18, v27  }
0xa6: {  	v3 =	vmul.f32 v14, v26;
	v62 =	vld.idx.msk [tilespmem:v15+s19+$0x0], $0xffff  }
0xa7: {  	[tilespmem:v32+s28+$0x0] =	vst.idx.add.f32.msk $0xffff, v5;
	v5 =	vmul.f32 v23, v31  }
0xa8: {  	v14 =	vmul.f32 v21, v29;
	[tilespmem:v30+s28+$0x0] =	vst.idx.add.f32.msk $0xffff, v3;
	v3 =	vand.u32 $0xFFFF, v11  }
0xa9: {  	[tilespmem:v1+s28+$0x0] =	vst.idx.add.f32.msk $0xffff, v5;
	v5 =	vmul.f32 v9, v16  }
0xaa: {  	[tilespmem:v35+s28+$0x0] =	vst.idx.add.f32.msk $0xffff, v14  }
0xab: {  	v7 =	vmul.f32 v25, v4;
	[tilespmem:v20+s30+$0x0] =	vst.idx.add.f32.msk $0xffff, v5  }
0xac: {  	v5 =	vld.idx.msk [tilespmem:v6+s21+$0x0], $0xffff  }
0xad: {  	[tilespmem:v3+s28+$0x0] =	vst.idx.add.f32.msk $0xffff, v7  }
0xae: {  	v6 =	vld.idx.msk [tilespmem:v17+s19+$0x0], $0xffff  }
0xaf: {  	v7 =	vld.idx.msk [tilespmem:v8+s19+$0x0], $0xffff  }
0xb0: {  	v9 =	vld.idx.msk [tilespmem:v10+s19+$0x0], $0xffff  }
0xb1: {  	v11 =	vld.idx.msk [tilespmem:v12+s19+$0x0], $0xffff;
	v5 =	vmul.f32 v5, v16  }
0xb2: {  	v14 =	vld.idx.msk [tilespmem:v13+s19+$0x0], $0xffff  }
0xb3: {  	v6 =	vmul.f32 v6, v26;
	[tilespmem:v20+s31+$0x0] =	vst.idx.add.f32.msk $0xffff, v5  }
0xb4: {  	v5 =	vmul.f32 v7, v27;
	v7 =	vld.idx.msk [tilespmem:v22+s19+$0x0], $0xffff  }
0xb5: {  	[tilespmem:v30+s29+$0x0] =	vst.idx.add.f32.msk $0xffff, v6;
	v6 =	vmul.f32 v9, v28  }
0xb6: {  	[tilespmem:v32+s29+$0x0] =	vst.idx.add.f32.msk $0xffff, v5;
	v5 =	vmul.f32 v11, v29  }
0xb7: {  	[tilespmem:v34+s29+$0x0] =	vst.idx.add.f32.msk $0xffff, v6;
	v6 =	vmul.f32 v14, v31  }
0xb8: {  	[tilespmem:v35+s29+$0x0] =	vst.idx.add.f32.msk $0xffff, v5  }
0xb9: {  	[tilespmem:v1+s29+$0x0] =	vst.idx.add.f32.msk $0xffff, v6  }
0xba: {  	v5 =	vmul.f32 v62, v33;
	v6 =	vld.idx.msk [tilespmem:v17+s20+$0x0], $0xffff  }
0xbb: {  	v9 =	vld.idx.msk [tilespmem:v12+s20+$0x0], $0xffff  }
0xbc: {  	[tilespmem:v2+s29+$0x0] =	vst.idx.add.f32.msk $0xffff, v5;
	v5 =	vmul.f32 v7, v4  }
0xbd: {  	v7 =	vld.idx.msk [tilespmem:v10+s20+$0x0], $0xffff  }
0xbe: {  	[tilespmem:v3+s29+$0x0] =	vst.idx.add.f32.msk $0xffff, v5  }
0xbf: {  	v5 =	vld.idx.msk [tilespmem:v8+s20+$0x0], $0xffff  }
0xc0: {  	v11 =	vld.idx.msk [tilespmem:v13+s20+$0x0], $0xffff  }
0xc1: {  	v14 =	vld.idx.msk [tilespmem:v15+s20+$0x0], $0xffff;
	v6 =	vmul.f32 v6, v26  }
0xc2: {  	v63 =	vld.idx.msk [tilespmem:v22+s20+$0x0], $0xffff  }
0xc3: {  	[tilespmem:v30+s30+$0x0] =	vst.idx.add.f32.msk $0xffff, v6;
	v7 =	vmul.f32 v7, v28  }
0xc4: {  	v6 =	vld.idx.msk [tilespmem:v17+s21+$0x0], $0xffff;
	v5 =	vmul.f32 v5, v27  }
0xc5: {  	[tilespmem:v34+s30+$0x0] =	vst.idx.add.f32.msk $0xffff, v7;
	v7 =	vmul.f32 v11, v31  }
0xc6: {  	[tilespmem:v32+s30+$0x0] =	vst.idx.add.f32.msk $0xffff, v5;
	v5 =	vmul.f32 v9, v29  }
0xc7: {  	[tilespmem:v1+s30+$0x0] =	vst.idx.add.f32.msk $0xffff, v7;
	v7 =	vmul.f32 v63, v4  }
0xc8: {  	[tilespmem:v35+s30+$0x0] =	vst.idx.add.f32.msk $0xffff, v5;
	v5 =	vmul.f32 v14, v33  }
0xc9: {  	[tilespmem:v3+s30+$0x0] =	vst.idx.add.f32.msk $0xffff, v7  }
0xca: {  	[tilespmem:v2+s30+$0x0] =	vst.idx.add.f32.msk $0xffff, v5  }
0xcb: {  	v5 =	vld.idx.msk [tilespmem:v8+s21+$0x0], $0xffff  }
0xcc: {  	v7 =	vld.idx.msk [tilespmem:v10+s21+$0x0], $0xffff  }
0xcd: {  	v8 =	vld.idx.msk [tilespmem:v12+s21+$0x0], $0xffff  }
0xce: {  	v10 =	vld.idx.msk [tilespmem:v13+s21+$0x0], $0xffff  }
0xcf: {  	v6 =	vmul.f32 v6, v26;
	v11 =	vld.idx.msk [tilespmem:v15+s21+$0x0], $0xffff  }
0xd0: {  	v9 =	vld.idx.msk [tilespmem:v22+s21+$0x0], $0xffff;
	v5 =	vmul.f32 v5, v27  }
0xd1: {  	[tilespmem:v30+s31+$0x0] =	vst.idx.add.f32.msk $0xffff, v6;
	v6 =	vmul.f32 v7, v28  }
0xd2: {  	[tilespmem:v32+s31+$0x0] =	vst.idx.add.f32.msk $0xffff, v5;
	v5 =	vmul.f32 v8, v29  }
0xd3: {  	[tilespmem:v34+s31+$0x0] =	vst.idx.add.f32.msk $0xffff, v6  }
0xd4: {  	s6 =	simm.s32 $0x13CC0;
	s5 =	simm.s32 $0x0;
	v13 =	vmul.f32 v10, v31;
	v12 =	vmul.f32 v11, v33;
	[tilespmem:v35+s31+$0x0] =	vst.idx.add.f32.msk $0xffff, v5  }
.LBB2_5:
0xd5: {  	v17 =	vld [tilespmem:s6+$0x30];
	s5 =	sadd.s32 $0x8, s5;
	v5 =	vmul.f32 v9, v4  }
0xd6: {  	v4 =	vld [tilespmem:s6+$0xFFFFFFD0];
	p0 =	slt.u32 s5, $0x188  }
0xd7: {  	v7 =	vld [tilespmem:s6+$0xFFFFFFE0]  }
0xd8: {  	v8 =	vld [tilespmem:s6+$0xFFFFFFF0]  }
0xd9: {  	v14 =	vld [tilespmem:s6+$0x0]  }
0xda: {  	v15 =	vld [tilespmem:s6+$0x10];
	v22 =	vshrl.u32 v17, $0x10  }
0xdb: {  	v9 =	vshrl.u32 v4, $0x10;
	v6 =	vand.u32 $0xFFFF, v4;
	v4 =	vld [tilespmem:s6+$0x20]  }
0xdc: {  	v16 =	vld [tilespmem:s6+$0xFFFFFFC0];
	v10 =	vshrl.u32 v7, $0x10;
	v7 =	vand.u32 $0xFFFF, v7  }
0xdd: {  	v11 =	vshrl.u32 v8, $0x10;
	v8 =	vand.u32 $0xFFFF, v8;
	[tilespmem:v1+s31+$0x0] =	vst.idx.add.f32.msk $0xffff, v13  }
0xde: {  	v13 =	vshrl.u32 v14, $0x10;
	v1 =	vand.u32 $0xFFFF, v14;
	[tilespmem:v2+s31+$0x0] =	vst.idx.add.f32.msk $0xffff, v12  }
0xdf: {  	s23 =	sadd.s32 $0x80, s23;
	v14 =	vshrl.u32 v15, $0x10;
	v2 =	vand.u32 $0xFFFF, v15;
	v18 =	vld.idx.msk [tilespmem:v22+s4+$0x0], $0xffff  }
0xe0: {  	v15 =	vshrl.u32 v4, $0x10;
	v12 =	vand.u32 $0xFFFF, v4;
	v23 =	vld [tilespmem:s23+$0x30]  }
0xe1: {  	v24 =	vshrl.u32 v16, $0x10;
	v16 =	vand.u32 $0xFFFF, v16;
	v4 =	vld.idx.msk [tilespmem:v9+s4+$0x0], $0xffff  }
0xe2: {  	v26 =	vand.u32 $0xFFFF, v17;
	v25 =	vld.idx.msk [tilespmem:v10+s4+$0x0], $0xffff  }
0xe3: {  	v27 =	vld.idx.msk [tilespmem:v11+s4+$0x0], $0xffff  }
0xe4: {  	v28 =	vld.idx.msk [tilespmem:v13+s4+$0x0], $0xffff  }
0xe5: {  	v29 =	vld.idx.msk [tilespmem:v14+s4+$0x0], $0xffff;
	v17 =	vmul.f32 v18, v23  }
0xe6: {  	v19 =	vld.idx.msk [tilespmem:v24+s4+$0x0], $0xffff  }
0xe7: {  	[tilespmem:v26+s28+$0x0] =	vst.idx.add.f32.msk $0xffff, v17  }
0xe8: {  	v30 =	vld.idx.msk [tilespmem:v22+s19+$0x0], $0xffff  }
0xe9: {  	v31 =	vld.idx.msk [tilespmem:v15+s4+$0x0], $0xffff  }
0xea: {  	v32 =	vld [tilespmem:s23+$0xFFFFFFC0]  }
0xeb: {  	v20 =	vld [tilespmem:s23+$0xFFFFFFD0]  }
0xec: {  	v21 =	vld [tilespmem:s23+$0xFFFFFFE0]  }
0xed: {  	v18 =	vld [tilespmem:s23+$0xFFFFFFF0]  }
0xee: {  	v30 =	vmul.f32 v30, v23;
	v17 =	vld [tilespmem:s23+$0x0]  }
0xef: {  	v33 =	vmul.f32 v19, v32;
	v19 =	vld [tilespmem:s23+$0x10]  }
0xf0: {  	v34 =	vmul.f32 v4, v20;
	[tilespmem:v26+s29+$0x0] =	vst.idx.add.f32.msk $0xffff, v30  }
0xf1: {  	v25 =	vmul.f32 v25, v21;
	v30 =	vld.idx.msk [tilespmem:v22+s20+$0x0], $0xffff  }
0xf2: {  	v27 =	vmul.f32 v27, v18;
	v4 =	vld [tilespmem:s23+$0x20]  }
0xf3: {  	[tilespmem:v16+s28+$0x0] =	vst.idx.add.f32.msk $0xffff, v33;
	v28 =	vmul.f32 v28, v17  }
0xf4: {  	[tilespmem:v6+s28+$0x0] =	vst.idx.add.f32.msk $0xffff, v34;
	v29 =	vmul.f32 v29, v19  }
0xf5: {  	[tilespmem:v7+s28+$0x0] =	vst.idx.add.f32.msk $0xffff, v25  }
0xf6: {  	[tilespmem:v8+s28+$0x0] =	vst.idx.add.f32.msk $0xffff, v27  }
0xf7: {  	v27 =	vmul.f32 v30, v23;
	[tilespmem:v1+s28+$0x0] =	vst.idx.add.f32.msk $0xffff, v28;
	v25 =	vmul.f32 v31, v4  }
0xf8: {  	[tilespmem:v2+s28+$0x0] =	vst.idx.add.f32.msk $0xffff, v29  }
0xf9: {  	[tilespmem:v26+s30+$0x0] =	vst.idx.add.f32.msk $0xffff, v27  }
0xfa: {  	v22 =	vld.idx.msk [tilespmem:v22+s21+$0x0], $0xffff  }
0xfb: {  	[tilespmem:v12+s28+$0x0] =	vst.idx.add.f32.msk $0xffff, v25  }
0xfc: {  	v25 =	vld.idx.msk [tilespmem:v24+s19+$0x0], $0xffff  }
0xfd: {  	v27 =	vld.idx.msk [tilespmem:v9+s19+$0x0], $0xffff  }
0xfe: {  	v28 =	vld.idx.msk [tilespmem:v10+s19+$0x0], $0xffff  }
0xff: {  	v29 =	vld.idx.msk [tilespmem:v11+s19+$0x0], $0xffff  }
0x100: {  	v22 =	vmul.f32 v22, v23;
	v30 =	vld.idx.msk [tilespmem:v13+s19+$0x0], $0xffff  }
0x101: {  	v23 =	vld.idx.msk [tilespmem:v14+s19+$0x0], $0xffff  }
0x102: {  	v25 =	vmul.f32 v25, v32;
	[tilespmem:v26+s31+$0x0] =	vst.idx.add.f32.msk $0xffff, v22  }
0x103: {  	v22 =	vmul.f32 v27, v20;
	v26 =	vld.idx.msk [tilespmem:v15+s19+$0x0], $0xffff  }
0x104: {  	[tilespmem:v16+s29+$0x0] =	vst.idx.add.f32.msk $0xffff, v25;
	v25 =	vmul.f32 v28, v21  }
0x105: {  	[tilespmem:v6+s29+$0x0] =	vst.idx.add.f32.msk $0xffff, v22;
	v22 =	vmul.f32 v29, v18  }
0x106: {  	[tilespmem:v7+s29+$0x0] =	vst.idx.add.f32.msk $0xffff, v25;
	v25 =	vmul.f32 v30, v17  }
0x107: {  	[tilespmem:v8+s29+$0x0] =	vst.idx.add.f32.msk $0xffff, v22;
	v22 =	vmul.f32 v23, v19  }
0x108: {  	[tilespmem:v1+s29+$0x0] =	vst.idx.add.f32.msk $0xffff, v25  }
0x109: {  	[tilespmem:v2+s29+$0x0] =	vst.idx.add.f32.msk $0xffff, v22;
	v22 =	vmul.f32 v26, v4  }
0x10a: {  	v23 =	vld.idx.msk [tilespmem:v24+s20+$0x0], $0xffff  }
0x10b: {  	[tilespmem:v12+s29+$0x0] =	vst.idx.add.f32.msk $0xffff, v22  }
0x10c: {  	v22 =	vld.idx.msk [tilespmem:v9+s20+$0x0], $0xffff  }
0x10d: {  	v25 =	vld.idx.msk [tilespmem:v10+s20+$0x0], $0xffff  }
0x10e: {  	v26 =	vld.idx.msk [tilespmem:v11+s20+$0x0], $0xffff  }
0x10f: {  	v27 =	vld.idx.msk [tilespmem:v13+s20+$0x0], $0xffff  }
0x110: {  	v23 =	vmul.f32 v23, v32;
	v28 =	vld.idx.msk [tilespmem:v14+s20+$0x0], $0xffff  }
0x111: {  	v29 =	vld.idx.msk [tilespmem:v15+s20+$0x0], $0xffff  }
0x112: {  	v22 =	vmul.f32 v22, v20;
	[tilespmem:v16+s30+$0x0] =	vst.idx.add.f32.msk $0xffff, v23  }
0x113: {  	v23 =	vld.idx.msk [tilespmem:v24+s21+$0x0], $0xffff;
	v24 =	vmul.f32 v25, v21  }
0x114: {  	[tilespmem:v6+s30+$0x0] =	vst.idx.add.f32.msk $0xffff, v22;
	v22 =	vmul.f32 v26, v18  }
0x115: {  	[tilespmem:v7+s30+$0x0] =	vst.idx.add.f32.msk $0xffff, v24;
	v24 =	vmul.f32 v27, v17  }
0x116: {  	[tilespmem:v8+s30+$0x0] =	vst.idx.add.f32.msk $0xffff, v22;
	v22 =	vmul.f32 v28, v19  }
0x117: {  	[tilespmem:v1+s30+$0x0] =	vst.idx.add.f32.msk $0xffff, v24;
	v24 =	vmul.f32 v29, v4  }
0x118: {  	[tilespmem:v2+s30+$0x0] =	vst.idx.add.f32.msk $0xffff, v22  }
0x119: {  	v22 =	vmul.f32 v23, v32;
	[tilespmem:v12+s30+$0x0] =	vst.idx.add.f32.msk $0xffff, v24  }
0x11a: {  	v23 =	vld.idx.msk [tilespmem:v9+s21+$0x0], $0xffff  }
0x11b: {  	v10 =	vld.idx.msk [tilespmem:v10+s21+$0x0], $0xffff  }
0x11c: {  	v11 =	vld.idx.msk [tilespmem:v11+s21+$0x0], $0xffff  }
0x11d: {  	v13 =	vld.idx.msk [tilespmem:v13+s21+$0x0], $0xffff  }
0x11e: {  	v14 =	vld.idx.msk [tilespmem:v14+s21+$0x0], $0xffff  }
0x11f: {  	v9 =	vld.idx.msk [tilespmem:v15+s21+$0x0], $0xffff  }
.Ltmp3:
0x120: {  	v15 =	vmul.f32 v23, v20;
	[tilespmem:v16+s31+$0x0] =	vst.idx.add.f32.msk $0xffff, v22;
	(pc) =	sbr.rel @p0 .LBB2_5-.Ltmp3, $4  }
0x121: {  	v10 =	vmul.f32 v10, v21;
	[tilespmem:v3+s31+$0x0] =	vst.idx.add.f32.msk $0xffff, v5;
	v3 =	vmov v12  }
0x122: {  	v5 =	vmul.f32 v11, v18;
	[tilespmem:v6+s31+$0x0] =	vst.idx.add.f32.msk $0xffff, v15  }
0x123: {  	v13 =	vmul.f32 v13, v17;
	[tilespmem:v7+s31+$0x0] =	vst.idx.add.f32.msk $0xffff, v10  }
0x124: {  	s6 =	sadd.s32 $0x80, s6;
	v12 =	vmul.f32 v14, v19;
	[tilespmem:v8+s31+$0x0] =	vst.idx.add.f32.msk $0xffff, v5  }
0x125: {  	_ = 	snop  }
0x126: {  	p0 =	seq.s32 s22, $0x18  }
0x127: {  	s5 =	smul.u32 @!p0 $0x3200, s22;
	_ =	sdelay $0x1  }
0x128: {  	v4 =	vmul.f32 v9, v4;
	[tilespmem:v1+s31+$0x0] =	vst.idx.add.f32.msk $0xffff, v13;
	s5 =	sshrl.u32 @!p0 s5, $0x3  }
0x129: {  	[tilespmem:v2+s31+$0x0] =	vst.idx.add.f32.msk $0xffff, v12;
	s5 =	sadd.s32 @!p0 $0x640, s5  }
0x12a: {  	s7 =	simm.s32 @!p0 $0x0;
	s8 =	simm.s32 @!p0 $0x13C00;
	[tilespmem:v3+s31+$0x0] =	vst.idx.add.f32.msk $0xffff, v4;
	s6 =	sadd.s32 @!p0 s2, s5  }
0x12b: {  	[tilespmem:s8], [sflag:$0x1] =	stream.linear.gather @!p0 [hbm4b:s6+s7], $0x1900, $0x38;
	[tilespmem:$0x1A000] =	vst v63  }
0x12c: {  	s5 =	sadd.s32 @!p0 s3, s5;
	s6 =	simm.s32 @!p0 $0x16E00  }
0x12d: {  	[tilespmem:s6], [sflag:$0x1] =	stream.linear.gather @!p0 [hbm4b:s5+s7], $0x1900, $0x38;
	[tilespmem:$0x1A000] =	vst v63  }
0x12e: {  	_ =	swait.ge [sflag:s1], $0x1900  }
0x12f: {  	[sflag:s1] =	ssyncset.done $0x0  }
0x130: {  	[sflag:s1] =	ssyncadd.s32 $0xFFFFE700  }
0x131: {  	_ =	swait.ge [sflag:s1], $0x1900  }
0x132: {  	[sflag:s1] =	ssyncset.done $0x0  }
0x133: {  	s23 =	simm.s32 $0x15540;
	[sflag:s1] =	ssyncadd.s32 $0xFFFFE700  }
0x134: {  	v1 =	vld [tilespmem:s23+$0x30]  }
0x135: {  	v2 =	vld [tilespmem:s23+$0xFFFFFFD0]  }
0x136: {  	v3 =	vld [tilespmem:s23+$0xFFFFFFE0]  }
0x137: {  	v4 =	vld [tilespmem:s23+$0xFFFFFFF0]  }
0x138: {  	v5 =	vld [tilespmem:s23+$0x0]  }
0x139: {  	v7 =	vld [tilespmem:s23+$0x10]  }
0x13a: {  	v9 =	vld [tilespmem:s23+$0xFFFFFFC0]  }
0x13b: {  	v11 =	vld [tilespmem:s23+$0x20];
	s23 =	simm.s32 $0x18740;
	v6 =	vshrl.u32 v1, $0x10  }
0x13c: {  	v16 =	vld [tilespmem:s23+$0x30]  }
0x13d: {  	v26 =	vld [tilespmem:s23+$0xFFFFFFC0]  }
0x13e: {  	v27 =	vld [tilespmem:s23+$0xFFFFFFD0]  }
0x13f: {  	v28 =	vld [tilespmem:s23+$0xFFFFFFE0]  }
0x140: {  	v8 =	vshrl.u32 v2, $0x10;
	v14 =	vld.idx.msk [tilespmem:v6+s4+$0x0], $0xffff  }
0x141: {  	v29 =	vld [tilespmem:s23+$0xFFFFFFF0];
	v10 =	vshrl.u32 v3, $0x10  }
0x142: {  	v31 =	vld [tilespmem:s23+$0x0];
	v20 =	vand.u32 $0xFFFF, v1  }
0x143: {  	v33 =	vld [tilespmem:s23+$0x10]  }
0x144: {  	v12 =	vshrl.u32 v4, $0x10;
	v35 =	vand.u32 $0xFFFF, v4;
	v4 =	vld [tilespmem:s23+$0x20]  }
0x145: {  	v15 =	vshrl.u32 v7, $0x10;
	v18 =	vld.idx.msk [tilespmem:v8+s4+$0x0], $0xffff;
	v1 =	vmul.f32 v14, v16  }
0x146: {  	v13 =	vshrl.u32 v5, $0x10;
	v19 =	vld.idx.msk [tilespmem:v10+s4+$0x0], $0xffff  }
0x147: {  	v22 =	vshrl.u32 v11, $0x10;
	[tilespmem:v20+s28+$0x0] =	vst.idx.add.f32.msk $0xffff, v1  }
0x148: {  	v17 =	vshrl.u32 v9, $0x10;
	v1 =	vld.idx.msk [tilespmem:v6+s19+$0x0], $0xffff  }
0x149: {  	v34 =	vand.u32 $0xFFFF, v3;
	v21 =	vld.idx.msk [tilespmem:v12+s4+$0x0], $0xffff  }
0x14a: {  	v24 =	vld.idx.msk [tilespmem:v15+s4+$0x0], $0xffff  }
0x14b: {  	v23 =	vld.idx.msk [tilespmem:v13+s4+$0x0], $0xffff  }
0x14c: {  	v32 =	vand.u32 $0xFFFF, v2;
	v2 =	vand.u32 $0xFFFF, v7;
	v25 =	vld.idx.msk [tilespmem:v22+s4+$0x0], $0xffff;
	v7 =	vmul.f32 v19, v28  }
0x14d: {  	v14 =	vld.idx.msk [tilespmem:v17+s4+$0x0], $0xffff;
	v1 =	vmul.f32 v1, v16  }
0x14e: {  	[tilespmem:v34+s28+$0x0] =	vst.idx.add.f32.msk $0xffff, v7  }
0x14f: {  	v30 =	vand.u32 $0xFFFF, v9;
	v7 =	vmul.f32 v24, v33;
	[tilespmem:v20+s29+$0x0] =	vst.idx.add.f32.msk $0xffff, v1  }
0x150: {  	v1 =	vand.u32 $0xFFFF, v5;
	v9 =	vld.idx.msk [tilespmem:v6+s20+$0x0], $0xffff  }
0x151: {  	[tilespmem:v2+s28+$0x0] =	vst.idx.add.f32.msk $0xffff, v7;
	v5 =	vmul.f32 v18, v27  }
0x152: {  	v3 =	vmul.f32 v14, v26;
	v62 =	vld.idx.msk [tilespmem:v15+s19+$0x0], $0xffff  }
0x153: {  	[tilespmem:v32+s28+$0x0] =	vst.idx.add.f32.msk $0xffff, v5;
	v5 =	vmul.f32 v23, v31  }
0x154: {  	v14 =	vmul.f32 v21, v29;
	[tilespmem:v30+s28+$0x0] =	vst.idx.add.f32.msk $0xffff, v3;
	v3 =	vand.u32 $0xFFFF, v11  }
0x155: {  	[tilespmem:v1+s28+$0x0] =	vst.idx.add.f32.msk $0xffff, v5;
	v5 =	vmul.f32 v9, v16  }
0x156: {  	[tilespmem:v35+s28+$0x0] =	vst.idx.add.f32.msk $0xffff, v14  }
0x157: {  	v7 =	vmul.f32 v25, v4;
	[tilespmem:v20+s30+$0x0] =	vst.idx.add.f32.msk $0xffff, v5  }
0x158: {  	v5 =	vld.idx.msk [tilespmem:v6+s21+$0x0], $0xffff  }
0x159: {  	[tilespmem:v3+s28+$0x0] =	vst.idx.add.f32.msk $0xffff, v7  }
0x15a: {  	v6 =	vld.idx.msk [tilespmem:v17+s19+$0x0], $0xffff  }
0x15b: {  	v7 =	vld.idx.msk [tilespmem:v8+s19+$0x0], $0xffff  }
0x15c: {  	v9 =	vld.idx.msk [tilespmem:v10+s19+$0x0], $0xffff  }
0x15d: {  	v11 =	vld.idx.msk [tilespmem:v12+s19+$0x0], $0xffff;
	v5 =	vmul.f32 v5, v16  }
0x15e: {  	v14 =	vld.idx.msk [tilespmem:v13+s19+$0x0], $0xffff  }
0x15f: {  	v6 =	vmul.f32 v6, v26;
	[tilespmem:v20+s31+$0x0] =	vst.idx.add.f32.msk $0xffff, v5  }
0x160: {  	v5 =	vmul.f32 v7, v27;
	v7 =	vld.idx.msk [tilespmem:v22+s19+$0x0], $0xffff  }
0x161: {  	[tilespmem:v30+s29+$0x0] =	vst.idx.add.f32.msk $0xffff, v6;
	v6 =	vmul.f32 v9, v28  }
0x162: {  	[tilespmem:v32+s29+$0x0] =	vst.idx.add.f32.msk $0xffff, v5;
	v5 =	vmul.f32 v11, v29  }
0x163: {  	[tilespmem:v34+s29+$0x0] =	vst.idx.add.f32.msk $0xffff, v6;
	v6 =	vmul.f32 v14, v31  }
0x164: {  	[tilespmem:v35+s29+$0x0] =	vst.idx.add.f32.msk $0xffff, v5  }
0x165: {  	[tilespmem:v1+s29+$0x0] =	vst.idx.add.f32.msk $0xffff, v6  }
0x166: {  	v5 =	vmul.f32 v62, v33;
	v6 =	vld.idx.msk [tilespmem:v17+s20+$0x0], $0xffff  }
0x167: {  	v9 =	vld.idx.msk [tilespmem:v12+s20+$0x0], $0xffff  }
0x168: {  	[tilespmem:v2+s29+$0x0] =	vst.idx.add.f32.msk $0xffff, v5;
	v5 =	vmul.f32 v7, v4  }
0x169: {  	v7 =	vld.idx.msk [tilespmem:v10+s20+$0x0], $0xffff  }
0x16a: {  	[tilespmem:v3+s29+$0x0] =	vst.idx.add.f32.msk $0xffff, v5  }
0x16b: {  	v5 =	vld.idx.msk [tilespmem:v8+s20+$0x0], $0xffff  }
0x16c: {  	v11 =	vld.idx.msk [tilespmem:v13+s20+$0x0], $0xffff  }
0x16d: {  	v14 =	vld.idx.msk [tilespmem:v15+s20+$0x0], $0xffff;
	v6 =	vmul.f32 v6, v26  }
0x16e: {  	v63 =	vld.idx.msk [tilespmem:v22+s20+$0x0], $0xffff  }
0x16f: {  	[tilespmem:v30+s30+$0x0] =	vst.idx.add.f32.msk $0xffff, v6;
	v7 =	vmul.f32 v7, v28  }
0x170: {  	v6 =	vld.idx.msk [tilespmem:v17+s21+$0x0], $0xffff;
	v5 =	vmul.f32 v5, v27  }
0x171: {  	[tilespmem:v34+s30+$0x0] =	vst.idx.add.f32.msk $0xffff, v7;
	v7 =	vmul.f32 v11, v31  }
0x172: {  	[tilespmem:v32+s30+$0x0] =	vst.idx.add.f32.msk $0xffff, v5;
	v5 =	vmul.f32 v9, v29  }
0x173: {  	[tilespmem:v1+s30+$0x0] =	vst.idx.add.f32.msk $0xffff, v7;
	v7 =	vmul.f32 v63, v4  }
0x174: {  	[tilespmem:v35+s30+$0x0] =	vst.idx.add.f32.msk $0xffff, v5;
	v5 =	vmul.f32 v14, v33  }
0x175: {  	[tilespmem:v3+s30+$0x0] =	vst.idx.add.f32.msk $0xffff, v7  }
0x176: {  	[tilespmem:v2+s30+$0x0] =	vst.idx.add.f32.msk $0xffff, v5  }
0x177: {  	v5 =	vld.idx.msk [tilespmem:v8+s21+$0x0], $0xffff  }
0x178: {  	v7 =	vld.idx.msk [tilespmem:v10+s21+$0x0], $0xffff  }
0x179: {  	v8 =	vld.idx.msk [tilespmem:v12+s21+$0x0], $0xffff  }
0x17a: {  	v10 =	vld.idx.msk [tilespmem:v13+s21+$0x0], $0xffff  }
0x17b: {  	v6 =	vmul.f32 v6, v26;
	v11 =	vld.idx.msk [tilespmem:v15+s21+$0x0], $0xffff  }
0x17c: {  	v9 =	vld.idx.msk [tilespmem:v22+s21+$0x0], $0xffff;
	v5 =	vmul.f32 v5, v27  }
0x17d: {  	[tilespmem:v30+s31+$0x0] =	vst.idx.add.f32.msk $0xffff, v6;
	v6 =	vmul.f32 v7, v28  }
0x17e: {  	[tilespmem:v32+s31+$0x0] =	vst.idx.add.f32.msk $0xffff, v5;
	v5 =	vmul.f32 v8, v29  }
0x17f: {  	[tilespmem:v34+s31+$0x0] =	vst.idx.add.f32.msk $0xffff, v6  }
0x180: {  	s5 =	simm.s32 $0x0;
	s6 =	simm.s32 $0x155C0;
	v12 =	vmul.f32 v10, v31;
	v14 =	vmul.f32 v11, v33;
	[tilespmem:v35+s31+$0x0] =	vst.idx.add.f32.msk $0xffff, v5  }
.LBB2_7:
0x181: {  	v17 =	vld [tilespmem:s6+$0x30];
	s5 =	sadd.s32 $0x8, s5;
	v5 =	vmul.f32 v9, v4  }
0x182: {  	v4 =	vld [tilespmem:s6+$0xFFFFFFD0];
	p1 =	slt.u32 s5, $0x188  }
0x183: {  	v7 =	vld [tilespmem:s6+$0xFFFFFFE0]  }
0x184: {  	v8 =	vld [tilespmem:s6+$0xFFFFFFF0]  }
0x185: {  	v15 =	vld [tilespmem:s6+$0x0]  }
0x186: {  	v16 =	vld [tilespmem:s6+$0x10];
	v22 =	vshrl.u32 v17, $0x10  }
0x187: {  	v9 =	vshrl.u32 v4, $0x10;
	v6 =	vand.u32 $0xFFFF, v4;
	v4 =	vld [tilespmem:s6+$0x20]  }
0x188: {  	v18 =	vld [tilespmem:s6+$0xFFFFFFC0];
	v10 =	vshrl.u32 v7, $0x10;
	v7 =	vand.u32 $0xFFFF, v7  }
0x189: {  	v11 =	vshrl.u32 v8, $0x10;
	v8 =	vand.u32 $0xFFFF, v8;
	[tilespmem:v1+s31+$0x0] =	vst.idx.add.f32.msk $0xffff, v12  }
0x18a: {  	v13 =	vshrl.u32 v15, $0x10;
	v1 =	vand.u32 $0xFFFF, v15;
	[tilespmem:v2+s31+$0x0] =	vst.idx.add.f32.msk $0xffff, v14  }
0x18b: {  	s23 =	sadd.s32 $0x80, s23;
	v14 =	vshrl.u32 v16, $0x10;
	v2 =	vand.u32 $0xFFFF, v16;
	v19 =	vld.idx.msk [tilespmem:v22+s4+$0x0], $0xffff  }
0x18c: {  	v15 =	vshrl.u32 v4, $0x10;
	v12 =	vand.u32 $0xFFFF, v4;
	v23 =	vld [tilespmem:s23+$0x30]  }
0x18d: {  	v24 =	vshrl.u32 v18, $0x10;
	v16 =	vand.u32 $0xFFFF, v18;
	v4 =	vld.idx.msk [tilespmem:v9+s4+$0x0], $0xffff  }
0x18e: {  	v26 =	vand.u32 $0xFFFF, v17;
	v25 =	vld.idx.msk [tilespmem:v10+s4+$0x0], $0xffff  }
0x18f: {  	v27 =	vld.idx.msk [tilespmem:v11+s4+$0x0], $0xffff  }
0x190: {  	v28 =	vld.idx.msk [tilespmem:v13+s4+$0x0], $0xffff  }
0x191: {  	v29 =	vld.idx.msk [tilespmem:v14+s4+$0x0], $0xffff;
	v17 =	vmul.f32 v19, v23  }
0x192: {  	v19 =	vld.idx.msk [tilespmem:v24+s4+$0x0], $0xffff  }
0x193: {  	[tilespmem:v26+s28+$0x0] =	vst.idx.add.f32.msk $0xffff, v17  }
0x194: {  	v30 =	vld.idx.msk [tilespmem:v22+s19+$0x0], $0xffff  }
0x195: {  	v31 =	vld.idx.msk [tilespmem:v15+s4+$0x0], $0xffff  }
0x196: {  	v32 =	vld [tilespmem:s23+$0xFFFFFFC0]  }
0x197: {  	v20 =	vld [tilespmem:s23+$0xFFFFFFD0]  }
0x198: {  	v21 =	vld [tilespmem:s23+$0xFFFFFFE0]  }
0x199: {  	v18 =	vld [tilespmem:s23+$0xFFFFFFF0]  }
0x19a: {  	v30 =	vmul.f32 v30, v23;
	v17 =	vld [tilespmem:s23+$0x0]  }
0x19b: {  	v33 =	vmul.f32 v19, v32;
	v19 =	vld [tilespmem:s23+$0x10]  }
0x19c: {  	v34 =	vmul.f32 v4, v20;
	[tilespmem:v26+s29+$0x0] =	vst.idx.add.f32.msk $0xffff, v30  }
0x19d: {  	v25 =	vmul.f32 v25, v21;
	v30 =	vld.idx.msk [tilespmem:v22+s20+$0x0], $0xffff  }
0x19e: {  	v27 =	vmul.f32 v27, v18;
	v4 =	vld [tilespmem:s23+$0x20]  }
0x19f: {  	[tilespmem:v16+s28+$0x0] =	vst.idx.add.f32.msk $0xffff, v33;
	v28 =	vmul.f32 v28, v17  }
0x1a0: {  	[tilespmem:v6+s28+$0x0] =	vst.idx.add.f32.msk $0xffff, v34;
	v29 =	vmul.f32 v29, v19  }
0x1a1: {  	[tilespmem:v7+s28+$0x0] =	vst.idx.add.f32.msk $0xffff, v25  }
0x1a2: {  	[tilespmem:v8+s28+$0x0] =	vst.idx.add.f32.msk $0xffff, v27  }
0x1a3: {  	v27 =	vmul.f32 v30, v23;
	[tilespmem:v1+s28+$0x0] =	vst.idx.add.f32.msk $0xffff, v28;
	v25 =	vmul.f32 v31, v4  }
0x1a4: {  	[tilespmem:v2+s28+$0x0] =	vst.idx.add.f32.msk $0xffff, v29  }
0x1a5: {  	[tilespmem:v26+s30+$0x0] =	vst.idx.add.f32.msk $0xffff, v27  }
0x1a6: {  	v22 =	vld.idx.msk [tilespmem:v22+s21+$0x0], $0xffff  }
0x1a7: {  	[tilespmem:v12+s28+$0x0] =	vst.idx.add.f32.msk $0xffff, v25  }
0x1a8: {  	v25 =	vld.idx.msk [tilespmem:v24+s19+$0x0], $0xffff  }
0x1a9: {  	v27 =	vld.idx.msk [tilespmem:v9+s19+$0x0], $0xffff  }
0x1aa: {  	v28 =	vld.idx.msk [tilespmem:v10+s19+$0x0], $0xffff  }
0x1ab: {  	v29 =	vld.idx.msk [tilespmem:v11+s19+$0x0], $0xffff  }
0x1ac: {  	v22 =	vmul.f32 v22, v23;
	v30 =	vld.idx.msk [tilespmem:v13+s19+$0x0], $0xffff  }
0x1ad: {  	v23 =	vld.idx.msk [tilespmem:v14+s19+$0x0], $0xffff  }
0x1ae: {  	v25 =	vmul.f32 v25, v32;
	[tilespmem:v26+s31+$0x0] =	vst.idx.add.f32.msk $0xffff, v22  }
0x1af: {  	v22 =	vmul.f32 v27, v20;
	v26 =	vld.idx.msk [tilespmem:v15+s19+$0x0], $0xffff  }
0x1b0: {  	[tilespmem:v16+s29+$0x0] =	vst.idx.add.f32.msk $0xffff, v25;
	v25 =	vmul.f32 v28, v21  }
0x1b1: {  	[tilespmem:v6+s29+$0x0] =	vst.idx.add.f32.msk $0xffff, v22;
	v22 =	vmul.f32 v29, v18  }
0x1b2: {  	[tilespmem:v7+s29+$0x0] =	vst.idx.add.f32.msk $0xffff, v25;
	v25 =	vmul.f32 v30, v17  }
0x1b3: {  	[tilespmem:v8+s29+$0x0] =	vst.idx.add.f32.msk $0xffff, v22;
	v22 =	vmul.f32 v23, v19  }
0x1b4: {  	[tilespmem:v1+s29+$0x0] =	vst.idx.add.f32.msk $0xffff, v25  }
0x1b5: {  	[tilespmem:v2+s29+$0x0] =	vst.idx.add.f32.msk $0xffff, v22;
	v22 =	vmul.f32 v26, v4  }
0x1b6: {  	v23 =	vld.idx.msk [tilespmem:v24+s20+$0x0], $0xffff  }
0x1b7: {  	[tilespmem:v12+s29+$0x0] =	vst.idx.add.f32.msk $0xffff, v22  }
0x1b8: {  	v22 =	vld.idx.msk [tilespmem:v9+s20+$0x0], $0xffff  }
0x1b9: {  	v25 =	vld.idx.msk [tilespmem:v10+s20+$0x0], $0xffff  }
0x1ba: {  	v26 =	vld.idx.msk [tilespmem:v11+s20+$0x0], $0xffff  }
0x1bb: {  	v27 =	vld.idx.msk [tilespmem:v13+s20+$0x0], $0xffff  }
0x1bc: {  	v23 =	vmul.f32 v23, v32;
	v28 =	vld.idx.msk [tilespmem:v14+s20+$0x0], $0xffff  }
0x1bd: {  	v29 =	vld.idx.msk [tilespmem:v15+s20+$0x0], $0xffff  }
0x1be: {  	v22 =	vmul.f32 v22, v20;
	[tilespmem:v16+s30+$0x0] =	vst.idx.add.f32.msk $0xffff, v23  }
0x1bf: {  	v23 =	vld.idx.msk [tilespmem:v24+s21+$0x0], $0xffff;
	v24 =	vmul.f32 v25, v21  }
0x1c0: {  	[tilespmem:v6+s30+$0x0] =	vst.idx.add.f32.msk $0xffff, v22;
	v22 =	vmul.f32 v26, v18  }
0x1c1: {  	[tilespmem:v7+s30+$0x0] =	vst.idx.add.f32.msk $0xffff, v24;
	v24 =	vmul.f32 v27, v17  }
0x1c2: {  	[tilespmem:v8+s30+$0x0] =	vst.idx.add.f32.msk $0xffff, v22;
	v22 =	vmul.f32 v28, v19  }
0x1c3: {  	[tilespmem:v1+s30+$0x0] =	vst.idx.add.f32.msk $0xffff, v24;
	v24 =	vmul.f32 v29, v4  }
0x1c4: {  	[tilespmem:v2+s30+$0x0] =	vst.idx.add.f32.msk $0xffff, v22  }
0x1c5: {  	v22 =	vmul.f32 v23, v32;
	[tilespmem:v12+s30+$0x0] =	vst.idx.add.f32.msk $0xffff, v24  }
0x1c6: {  	v23 =	vld.idx.msk [tilespmem:v9+s21+$0x0], $0xffff  }
0x1c7: {  	v10 =	vld.idx.msk [tilespmem:v10+s21+$0x0], $0xffff  }
0x1c8: {  	v11 =	vld.idx.msk [tilespmem:v11+s21+$0x0], $0xffff  }
0x1c9: {  	v13 =	vld.idx.msk [tilespmem:v13+s21+$0x0], $0xffff  }
0x1ca: {  	v14 =	vld.idx.msk [tilespmem:v14+s21+$0x0], $0xffff  }
0x1cb: {  	v9 =	vld.idx.msk [tilespmem:v15+s21+$0x0], $0xffff  }
.Ltmp4:
0x1cc: {  	v15 =	vmul.f32 v23, v20;
	[tilespmem:v16+s31+$0x0] =	vst.idx.add.f32.msk $0xffff, v22;
	(pc) =	sbr.rel @p1 .LBB2_7-.Ltmp4, $4  }
0x1cd: {  	v10 =	vmul.f32 v10, v21;
	[tilespmem:v3+s31+$0x0] =	vst.idx.add.f32.msk $0xffff, v5;
	v3 =	vmov v12  }
0x1ce: {  	v5 =	vmul.f32 v11, v18;
	[tilespmem:v6+s31+$0x0] =	vst.idx.add.f32.msk $0xffff, v15  }
0x1cf: {  	v12 =	vmul.f32 v13, v17;
	[tilespmem:v7+s31+$0x0] =	vst.idx.add.f32.msk $0xffff, v10  }
0x1d0: {  	s6 =	sadd.s32 $0x80, s6;
	v14 =	vmul.f32 v14, v19;
	[tilespmem:v8+s31+$0x0] =	vst.idx.add.f32.msk $0xffff, v5  }
0x1d1: {  	_ =	sdelay $0x1  }
.Ltmp5:
0x1d2: {  	_ = 	snop;
	(pc) =	sbr.rel @p0 .LBB2_9-.Ltmp5, $4  }
0x1d3: {  	_ = 	snop  }
0x1d4: {  	v4 =	vmul.f32 v9, v4;
	[tilespmem:v1+s31+$0x0] =	vst.idx.add.f32.msk $0xffff, v12  }
0x1d5: {  	[tilespmem:v2+s31+$0x0] =	vst.idx.add.f32.msk $0xffff, v14  }
0x1d6: {  	[tilespmem:v3+s31+$0x0] =	vst.idx.add.f32.msk $0xffff, v4  }
0x1d7: {  	s5 =	smul.u32 $0x3200, s22;
	_ =	sdelay $0x1  }
0x1d8: {  	s5 =	sshrl.u32 s5, $0x3  }
.Ltmp6:
0x1d9: {  	s5 =	sadd.s32 $0x960, s5;
	(pc) =	sbr.rel .LBB2_4-.Ltmp6, $4  }
0x1da: {  	s6 =	sadd.s32 s2, s5  }
0x1db: {  	[tilespmem:s24], [sflag:$0x2] =	stream.linear.gather [hbm4b:s6+s4], $0x1900, $0x38;
	[tilespmem:$0x1A000] =	vst v63  }
0x1dc: {  	s22 =	sadd.s32 $0x1, s22;
	s5 =	sadd.s32 s3, s5  }
0x1dd: {  	[tilespmem:s25], [sflag:$0x2] =	stream.linear.gather [hbm4b:s5+s4], $0x1900, $0x38;
	[tilespmem:$0x1A000] =	vst v63  }
.LBB2_9:
0x1de: {  	s23 =	simm.s32 $0x40  }
0x1df: {  	[tilespmem:s23+$0x30] =	vst v0  }
0x1e0: {  	[tilespmem:s23+$0xFFFFFFE0] =	vst v0  }
0x1e1: {  	[tilespmem:s23+$0xFFFFFFF0] =	vst v0  }
0x1e2: {  	[tilespmem:s23+$0x0] =	vst v0  }
0x1e3: {  	[tilespmem:s23+$0xFFFFFFC0] =	vst v0  }
0x1e4: {  	[tilespmem:s23+$0x10] =	vst v0  }
0x1e5: {  	[tilespmem:s23+$0x20] =	vst v0  }
0x1e6: {  	s22 =	simm.s32 $0x27C0;
	[tilespmem:s23+$0xFFFFFFD0] =	vst v0  }
0x1e7: {  	[tilespmem:s22+$0x30] =	vst v0  }
0x1e8: {  	[tilespmem:s22+$0xFFFFFFC0] =	vst v0  }
0x1e9: {  	[tilespmem:s22+$0x10] =	vst v0  }
0x1ea: {  	[tilespmem:s22+$0xFFFFFFD0] =	vst v0  }
0x1eb: {  	[tilespmem:s22+$0x20] =	vst v0  }
0x1ec: {  	[tilespmem:s22+$0x0] =	vst v0  }
0x1ed: {  	s6 =	simm.s32 $0x4F40;
	[tilespmem:s22+$0xFFFFFFF0] =	vst v0  }
0x1ee: {  	[tilespmem:s6+$0x30] =	vst v0  }
0x1ef: {  	[tilespmem:s6+$0xFFFFFFC0] =	vst v0  }
0x1f0: {  	[tilespmem:s6+$0x10] =	vst v0  }
0x1f1: {  	[tilespmem:s6+$0xFFFFFFD0] =	vst v0  }
0x1f2: {  	[tilespmem:s6+$0x20] =	vst v0  }
0x1f3: {  	[tilespmem:s6+$0x0] =	vst v0  }
0x1f4: {  	s5 =	simm.s32 $0x76C0;
	[tilespmem:s6+$0xFFFFFFF0] =	vst v0  }
0x1f5: {  	[tilespmem:s5+$0x30] =	vst v0  }
0x1f6: {  	[tilespmem:s5+$0xFFFFFFC0] =	vst v0  }
0x1f7: {  	[tilespmem:s5+$0x10] =	vst v0  }
0x1f8: {  	[tilespmem:s5+$0xFFFFFFD0] =	vst v0  }
0x1f9: {  	s7 =	simm.s32 $0x0;
	s8 =	simm.s32 $0x4FC0;
	s11 =	simm.s32 $0x7740;
	[tilespmem:s5+$0x20] =	vst v0  }
.LBB2_10:
0x1fa: {  	s7 =	sadd.s32 $0x8, s7;
	[tilespmem:s22+$0xFFFFFFE0] =	vst v0;
	s23 =	sadd.s32 $0x80, s23;
	s22 =	sadd.s32 $0x80, s22  }
0x1fb: {  	[tilespmem:s23+$0x30] =	vst v0;
	p0 =	slt.u32 s7, $0x268  }
0x1fc: {  	[tilespmem:s22+$0x30] =	vst v0  }
0x1fd: {  	[tilespmem:s8+$0x30] =	vst v0  }
0x1fe: {  	[tilespmem:s5+$0xFFFFFFF0] =	vst v0  }
0x1ff: {  	[tilespmem:s5+$0x0] =	vst v0  }
0x200: {  	[tilespmem:s6+$0xFFFFFFE0] =	vst v0;
	s6 =	smov.u32 s8  }
0x201: {  	[tilespmem:s5+$0xFFFFFFE0] =	vst v0;
	s5 =	smov.u32 s11  }
0x202: {  	[tilespmem:s11+$0x30] =	vst v0  }
0x203: {  	[tilespmem:s23+$0xFFFFFFE0] =	vst v0  }
0x204: {  	[tilespmem:s23+$0xFFFFFFF0] =	vst v0  }
0x205: {  	[tilespmem:s23+$0x0] =	vst v0  }
0x206: {  	[tilespmem:s23+$0xFFFFFFC0] =	vst v0  }
0x207: {  	[tilespmem:s22+$0xFFFFFFC0] =	vst v0  }
0x208: {  	[tilespmem:s8+$0xFFFFFFC0] =	vst v0  }
0x209: {  	[tilespmem:s11+$0xFFFFFFC0] =	vst v0  }
0x20a: {  	[tilespmem:s23+$0x10] =	vst v0  }
0x20b: {  	[tilespmem:s22+$0x10] =	vst v0  }
0x20c: {  	[tilespmem:s8+$0x10] =	vst v0  }
0x20d: {  	[tilespmem:s11+$0x10] =	vst v0  }
0x20e: {  	[tilespmem:s23+$0x20] =	vst v0  }
0x20f: {  	[tilespmem:s23+$0xFFFFFFD0] =	vst v0  }
0x210: {  	[tilespmem:s22+$0xFFFFFFD0] =	vst v0  }
0x211: {  	[tilespmem:s8+$0xFFFFFFD0] =	vst v0  }
0x212: {  	[tilespmem:s11+$0xFFFFFFD0] =	vst v0  }
0x213: {  	[tilespmem:s22+$0x20] =	vst v0  }
0x214: {  	[tilespmem:s8+$0x20] =	vst v0  }
.Ltmp7:
0x215: {  	[tilespmem:s11+$0x20] =	vst v0;
	(pc) =	sbr.rel @p0 .LBB2_10-.Ltmp7, $4  }
0x216: {  	[tilespmem:s22+$0x0] =	vst v0  }
0x217: {  	[tilespmem:s8+$0x0] =	vst v0  }
0x218: {  	[tilespmem:s22+$0xFFFFFFF0] =	vst v0  }
0x219: {  	s11 =	sadd.s32 $0x80, s11;
	s8 =	sadd.s32 $0x80, s8;
	[tilespmem:s6+$0xFFFFFFF0] =	vst v0  }
0x21a: {  	[tilespmem:s22+$0xFFFFFFE0] =	vst v0  }
0x21b: {  	[tilespmem:s5+$0xFFFFFFF0] =	vst v0  }
0x21c: {  	[tilespmem:s5+$0x0] =	vst v0  }
0x21d: {  	[tilespmem:s6+$0xFFFFFFE0] =	vst v0  }
0x21e: {  	[tilespmem:s5+$0xFFFFFFE0] =	vst v0  }
0x21f: {  	[tilespmem:$0x2700] =	vst v0  }
0x220: {  	[tilespmem:$0x4E80] =	vst v0  }
0x221: {  	[tilespmem:$0x7600] =	vst v0  }
0x222: {  	s22 =	simm.s32 $0x0;
	s11 =	simm.s32 $0x13C00;
	[tilespmem:$0x9D80] =	vst v0  }
0x223: {  	[tilespmem:s11], [sflag:$0x1] =	stream.linear.gather [hbm4b:s2+s22], $0x1900, $0x38;
	[tilespmem:$0x1A000] =	vst v63  }
0x224: {  	s23 =	simm.s32 $0x16E00  }
0x225: {  	[tilespmem:s23], [sflag:$0x1] =	stream.linear.gather [hbm4b:s3+s22], $0x1900, $0x38;
	[tilespmem:$0x1A000] =	vst v63  }
0x226: {  	_ = 	snop  }
0x227: {  	[tilespmem:s24], [sflag:$0x2] =	stream.linear.gather [hbm4b:s9+s22], $0x1900, $0x38;
	[tilespmem:$0x1A000] =	vst v63  }
0x228: {  	_ = 	snop  }
0x229: {  	[tilespmem:s25], [sflag:$0x2] =	stream.linear.gather [hbm4b:s10+s22], $0x1900, $0x38;
	[tilespmem:$0x1A000] =	vst v63  }
.LBB2_12:
0x22a: {  	_ =	swait.ge [sflag:s26], $0x1900  }
0x22b: {  	[sflag:s26] =	ssyncset.done $0x0  }
0x22c: {  	[sflag:s26] =	ssyncadd.s32 $0xFFFFE700  }
0x22d: {  	_ =	swait.ge [sflag:s26], $0x1900  }
0x22e: {  	[sflag:s26] =	ssyncset.done $0x0  }
0x22f: {  	s5 =	simm.s32 $0x13C40;
	[sflag:s26] =	ssyncadd.s32 $0xFFFFE700  }
0x230: {  	v1 =	vld [tilespmem:s5+$0x30]  }
0x231: {  	v2 =	vld [tilespmem:s5+$0xFFFFFFD0]  }
0x232: {  	v3 =	vld [tilespmem:s5+$0xFFFFFFE0]  }
0x233: {  	v4 =	vld [tilespmem:s5+$0xFFFFFFF0]  }
0x234: {  	v5 =	vld [tilespmem:s5+$0x0]  }
0x235: {  	v7 =	vld [tilespmem:s5+$0x10]  }
0x236: {  	v9 =	vld [tilespmem:s5+$0xFFFFFFC0]  }
0x237: {  	s23 =	simm.s32 $0x16E40;
	v11 =	vld [tilespmem:s5+$0x20];
	v6 =	vshrl.u32 v1, $0x10  }
0x238: {  	v16 =	vld [tilespmem:s23+$0x30]  }
0x239: {  	v26 =	vld [tilespmem:s23+$0xFFFFFFC0]  }
0x23a: {  	v27 =	vld [tilespmem:s23+$0xFFFFFFD0]  }
0x23b: {  	v28 =	vld [tilespmem:s23+$0xFFFFFFE0]  }
0x23c: {  	v8 =	vshrl.u32 v2, $0x10;
	v14 =	vld.idx.msk [tilespmem:v6+s28+$0x0], $0xffff  }
0x23d: {  	v29 =	vld [tilespmem:s23+$0xFFFFFFF0];
	v10 =	vshrl.u32 v3, $0x10  }
0x23e: {  	v31 =	vld [tilespmem:s23+$0x0];
	v20 =	vand.u32 $0xFFFF, v1  }
0x23f: {  	v33 =	vld [tilespmem:s23+$0x10]  }
0x240: {  	v12 =	vshrl.u32 v4, $0x10;
	v35 =	vand.u32 $0xFFFF, v4;
	v4 =	vld [tilespmem:s23+$0x20]  }
0x241: {  	v15 =	vshrl.u32 v7, $0x10;
	v18 =	vld.idx.msk [tilespmem:v8+s28+$0x0], $0xffff;
	v1 =	vmul.f32 v14, v16  }
0x242: {  	v13 =	vshrl.u32 v5, $0x10;
	v19 =	vld.idx.msk [tilespmem:v10+s28+$0x0], $0xffff  }
0x243: {  	v22 =	vshrl.u32 v11, $0x10;
	[tilespmem:v20+s4+$0x0] =	vst.idx.add.f32.msk $0xffff, v1  }
0x244: {  	v17 =	vshrl.u32 v9, $0x10;
	v1 =	vld.idx.msk [tilespmem:v6+s29+$0x0], $0xffff  }
0x245: {  	v34 =	vand.u32 $0xFFFF, v3;
	v21 =	vld.idx.msk [tilespmem:v12+s28+$0x0], $0xffff  }
0x246: {  	v24 =	vld.idx.msk [tilespmem:v15+s28+$0x0], $0xffff  }
0x247: {  	v23 =	vld.idx.msk [tilespmem:v13+s28+$0x0], $0xffff  }
0x248: {  	v32 =	vand.u32 $0xFFFF, v2;
	v2 =	vand.u32 $0xFFFF, v7;
	v25 =	vld.idx.msk [tilespmem:v22+s28+$0x0], $0xffff;
	v7 =	vmul.f32 v19, v28  }
0x249: {  	v14 =	vld.idx.msk [tilespmem:v17+s28+$0x0], $0xffff;
	v1 =	vmul.f32 v1, v16  }
0x24a: {  	[tilespmem:v34+s4+$0x0] =	vst.idx.add.f32.msk $0xffff, v7  }
0x24b: {  	v30 =	vand.u32 $0xFFFF, v9;
	v7 =	vmul.f32 v24, v33;
	[tilespmem:v20+s19+$0x0] =	vst.idx.add.f32.msk $0xffff, v1  }
0x24c: {  	v1 =	vand.u32 $0xFFFF, v5;
	v9 =	vld.idx.msk [tilespmem:v6+s30+$0x0], $0xffff  }
0x24d: {  	[tilespmem:v2+s4+$0x0] =	vst.idx.add.f32.msk $0xffff, v7;
	v5 =	vmul.f32 v18, v27  }
0x24e: {  	v3 =	vmul.f32 v14, v26;
	v62 =	vld.idx.msk [tilespmem:v15+s29+$0x0], $0xffff  }
0x24f: {  	[tilespmem:v32+s4+$0x0] =	vst.idx.add.f32.msk $0xffff, v5;
	v5 =	vmul.f32 v23, v31  }
0x250: {  	v14 =	vmul.f32 v21, v29;
	[tilespmem:v30+s4+$0x0] =	vst.idx.add.f32.msk $0xffff, v3;
	v3 =	vand.u32 $0xFFFF, v11  }
0x251: {  	[tilespmem:v1+s4+$0x0] =	vst.idx.add.f32.msk $0xffff, v5;
	v5 =	vmul.f32 v9, v16  }
0x252: {  	[tilespmem:v35+s4+$0x0] =	vst.idx.add.f32.msk $0xffff, v14  }
0x253: {  	v7 =	vmul.f32 v25, v4;
	[tilespmem:v20+s20+$0x0] =	vst.idx.add.f32.msk $0xffff, v5  }
0x254: {  	v5 =	vld.idx.msk [tilespmem:v6+s31+$0x0], $0xffff  }
0x255: {  	[tilespmem:v3+s4+$0x0] =	vst.idx.add.f32.msk $0xffff, v7  }
0x256: {  	v6 =	vld.idx.msk [tilespmem:v17+s29+$0x0], $0xffff  }
0x257: {  	v7 =	vld.idx.msk [tilespmem:v8+s29+$0x0], $0xffff  }
0x258: {  	v9 =	vld.idx.msk [tilespmem:v10+s29+$0x0], $0xffff  }
0x259: {  	v11 =	vld.idx.msk [tilespmem:v12+s29+$0x0], $0xffff;
	v5 =	vmul.f32 v5, v16  }
0x25a: {  	v14 =	vld.idx.msk [tilespmem:v13+s29+$0x0], $0xffff  }
0x25b: {  	v6 =	vmul.f32 v6, v26;
	[tilespmem:v20+s21+$0x0] =	vst.idx.add.f32.msk $0xffff, v5  }
0x25c: {  	v5 =	vmul.f32 v7, v27;
	v7 =	vld.idx.msk [tilespmem:v22+s29+$0x0], $0xffff  }
0x25d: {  	[tilespmem:v30+s19+$0x0] =	vst.idx.add.f32.msk $0xffff, v6;
	v6 =	vmul.f32 v9, v28  }
0x25e: {  	[tilespmem:v32+s19+$0x0] =	vst.idx.add.f32.msk $0xffff, v5;
	v5 =	vmul.f32 v11, v29  }
0x25f: {  	[tilespmem:v34+s19+$0x0] =	vst.idx.add.f32.msk $0xffff, v6;
	v6 =	vmul.f32 v14, v31  }
0x260: {  	[tilespmem:v35+s19+$0x0] =	vst.idx.add.f32.msk $0xffff, v5  }
0x261: {  	[tilespmem:v1+s19+$0x0] =	vst.idx.add.f32.msk $0xffff, v6  }
0x262: {  	v5 =	vmul.f32 v62, v33;
	v6 =	vld.idx.msk [tilespmem:v17+s30+$0x0], $0xffff  }
0x263: {  	v9 =	vld.idx.msk [tilespmem:v12+s30+$0x0], $0xffff  }
0x264: {  	[tilespmem:v2+s19+$0x0] =	vst.idx.add.f32.msk $0xffff, v5;
	v5 =	vmul.f32 v7, v4  }
0x265: {  	v7 =	vld.idx.msk [tilespmem:v10+s30+$0x0], $0xffff  }
0x266: {  	[tilespmem:v3+s19+$0x0] =	vst.idx.add.f32.msk $0xffff, v5  }
0x267: {  	v5 =	vld.idx.msk [tilespmem:v8+s30+$0x0], $0xffff  }
0x268: {  	v11 =	vld.idx.msk [tilespmem:v13+s30+$0x0], $0xffff  }
0x269: {  	v14 =	vld.idx.msk [tilespmem:v15+s30+$0x0], $0xffff;
	v6 =	vmul.f32 v6, v26  }
0x26a: {  	v63 =	vld.idx.msk [tilespmem:v22+s30+$0x0], $0xffff  }
0x26b: {  	[tilespmem:v30+s20+$0x0] =	vst.idx.add.f32.msk $0xffff, v6;
	v7 =	vmul.f32 v7, v28  }
0x26c: {  	v6 =	vld.idx.msk [tilespmem:v17+s31+$0x0], $0xffff;
	v5 =	vmul.f32 v5, v27  }
0x26d: {  	[tilespmem:v34+s20+$0x0] =	vst.idx.add.f32.msk $0xffff, v7;
	v7 =	vmul.f32 v11, v31  }
0x26e: {  	[tilespmem:v32+s20+$0x0] =	vst.idx.add.f32.msk $0xffff, v5;
	v5 =	vmul.f32 v9, v29  }
0x26f: {  	[tilespmem:v1+s20+$0x0] =	vst.idx.add.f32.msk $0xffff, v7;
	v7 =	vmul.f32 v63, v4  }
0x270: {  	[tilespmem:v35+s20+$0x0] =	vst.idx.add.f32.msk $0xffff, v5;
	v5 =	vmul.f32 v14, v33  }
0x271: {  	[tilespmem:v3+s20+$0x0] =	vst.idx.add.f32.msk $0xffff, v7  }
0x272: {  	[tilespmem:v2+s20+$0x0] =	vst.idx.add.f32.msk $0xffff, v5  }
0x273: {  	v5 =	vld.idx.msk [tilespmem:v8+s31+$0x0], $0xffff  }
0x274: {  	v7 =	vld.idx.msk [tilespmem:v10+s31+$0x0], $0xffff  }
0x275: {  	v8 =	vld.idx.msk [tilespmem:v12+s31+$0x0], $0xffff  }
0x276: {  	v10 =	vld.idx.msk [tilespmem:v13+s31+$0x0], $0xffff  }
0x277: {  	v6 =	vmul.f32 v6, v26;
	v11 =	vld.idx.msk [tilespmem:v15+s31+$0x0], $0xffff  }
0x278: {  	v9 =	vld.idx.msk [tilespmem:v22+s31+$0x0], $0xffff;
	v5 =	vmul.f32 v5, v27  }
0x279: {  	[tilespmem:v30+s21+$0x0] =	vst.idx.add.f32.msk $0xffff, v6;
	v6 =	vmul.f32 v7, v28  }
0x27a: {  	[tilespmem:v32+s21+$0x0] =	vst.idx.add.f32.msk $0xffff, v5;
	v5 =	vmul.f32 v8, v29  }
0x27b: {  	[tilespmem:v34+s21+$0x0] =	vst.idx.add.f32.msk $0xffff, v6  }
0x27c: {  	s6 =	simm.s32 $0x13CC0;
	s5 =	simm.s32 $0x0;
	v13 =	vmul.f32 v10, v31;
	v12 =	vmul.f32 v11, v33;
	[tilespmem:v35+s21+$0x0] =	vst.idx.add.f32.msk $0xffff, v5  }
.LBB2_13:
0x27d: {  	v17 =	vld [tilespmem:s6+$0x30];
	s5 =	sadd.s32 $0x8, s5;
	v5 =	vmul.f32 v9, v4  }
0x27e: {  	v4 =	vld [tilespmem:s6+$0xFFFFFFD0];
	p0 =	slt.u32 s5, $0x188  }
0x27f: {  	v7 =	vld [tilespmem:s6+$0xFFFFFFE0]  }
0x280: {  	v8 =	vld [tilespmem:s6+$0xFFFFFFF0]  }
0x281: {  	v14 =	vld [tilespmem:s6+$0x0]  }
0x282: {  	v15 =	vld [tilespmem:s6+$0x10];
	v22 =	vshrl.u32 v17, $0x10  }
0x283: {  	v9 =	vshrl.u32 v4, $0x10;
	v6 =	vand.u32 $0xFFFF, v4;
	v4 =	vld [tilespmem:s6+$0x20]  }
0x284: {  	v16 =	vld [tilespmem:s6+$0xFFFFFFC0];
	v10 =	vshrl.u32 v7, $0x10;
	v7 =	vand.u32 $0xFFFF, v7  }
0x285: {  	v11 =	vshrl.u32 v8, $0x10;
	v8 =	vand.u32 $0xFFFF, v8;
	[tilespmem:v1+s21+$0x0] =	vst.idx.add.f32.msk $0xffff, v13  }
0x286: {  	v13 =	vshrl.u32 v14, $0x10;
	v1 =	vand.u32 $0xFFFF, v14;
	[tilespmem:v2+s21+$0x0] =	vst.idx.add.f32.msk $0xffff, v12  }
0x287: {  	s23 =	sadd.s32 $0x80, s23;
	v14 =	vshrl.u32 v15, $0x10;
	v2 =	vand.u32 $0xFFFF, v15;
	v18 =	vld.idx.msk [tilespmem:v22+s28+$0x0], $0xffff  }
0x288: {  	v15 =	vshrl.u32 v4, $0x10;
	v12 =	vand.u32 $0xFFFF, v4;
	v23 =	vld [tilespmem:s23+$0x30]  }
0x289: {  	v24 =	vshrl.u32 v16, $0x10;
	v16 =	vand.u32 $0xFFFF, v16;
	v4 =	vld.idx.msk [tilespmem:v9+s28+$0x0], $0xffff  }
0x28a: {  	v26 =	vand.u32 $0xFFFF, v17;
	v25 =	vld.idx.msk [tilespmem:v10+s28+$0x0], $0xffff  }
0x28b: {  	v27 =	vld.idx.msk [tilespmem:v11+s28+$0x0], $0xffff  }
0x28c: {  	v28 =	vld.idx.msk [tilespmem:v13+s28+$0x0], $0xffff  }
0x28d: {  	v29 =	vld.idx.msk [tilespmem:v14+s28+$0x0], $0xffff;
	v17 =	vmul.f32 v18, v23  }
0x28e: {  	v19 =	vld.idx.msk [tilespmem:v24+s28+$0x0], $0xffff  }
0x28f: {  	[tilespmem:v26+s4+$0x0] =	vst.idx.add.f32.msk $0xffff, v17  }
0x290: {  	v30 =	vld.idx.msk [tilespmem:v22+s29+$0x0], $0xffff  }
0x291: {  	v31 =	vld.idx.msk [tilespmem:v15+s28+$0x0], $0xffff  }
0x292: {  	v32 =	vld [tilespmem:s23+$0xFFFFFFC0]  }
0x293: {  	v20 =	vld [tilespmem:s23+$0xFFFFFFD0]  }
0x294: {  	v21 =	vld [tilespmem:s23+$0xFFFFFFE0]  }
0x295: {  	v18 =	vld [tilespmem:s23+$0xFFFFFFF0]  }
0x296: {  	v30 =	vmul.f32 v30, v23;
	v17 =	vld [tilespmem:s23+$0x0]  }
0x297: {  	v33 =	vmul.f32 v19, v32;
	v19 =	vld [tilespmem:s23+$0x10]  }
0x298: {  	v34 =	vmul.f32 v4, v20;
	[tilespmem:v26+s19+$0x0] =	vst.idx.add.f32.msk $0xffff, v30  }
0x299: {  	v25 =	vmul.f32 v25, v21;
	v30 =	vld.idx.msk [tilespmem:v22+s30+$0x0], $0xffff  }
0x29a: {  	v27 =	vmul.f32 v27, v18;
	v4 =	vld [tilespmem:s23+$0x20]  }
0x29b: {  	[tilespmem:v16+s4+$0x0] =	vst.idx.add.f32.msk $0xffff, v33;
	v28 =	vmul.f32 v28, v17  }
0x29c: {  	[tilespmem:v6+s4+$0x0] =	vst.idx.add.f32.msk $0xffff, v34;
	v29 =	vmul.f32 v29, v19  }
0x29d: {  	[tilespmem:v7+s4+$0x0] =	vst.idx.add.f32.msk $0xffff, v25  }
0x29e: {  	[tilespmem:v8+s4+$0x0] =	vst.idx.add.f32.msk $0xffff, v27  }
0x29f: {  	v27 =	vmul.f32 v30, v23;
	[tilespmem:v1+s4+$0x0] =	vst.idx.add.f32.msk $0xffff, v28;
	v25 =	vmul.f32 v31, v4  }
0x2a0: {  	[tilespmem:v2+s4+$0x0] =	vst.idx.add.f32.msk $0xffff, v29  }
0x2a1: {  	[tilespmem:v26+s20+$0x0] =	vst.idx.add.f32.msk $0xffff, v27  }
0x2a2: {  	v22 =	vld.idx.msk [tilespmem:v22+s31+$0x0], $0xffff  }
0x2a3: {  	[tilespmem:v12+s4+$0x0] =	vst.idx.add.f32.msk $0xffff, v25  }
0x2a4: {  	v25 =	vld.idx.msk [tilespmem:v24+s29+$0x0], $0xffff  }
0x2a5: {  	v27 =	vld.idx.msk [tilespmem:v9+s29+$0x0], $0xffff  }
0x2a6: {  	v28 =	vld.idx.msk [tilespmem:v10+s29+$0x0], $0xffff  }
0x2a7: {  	v29 =	vld.idx.msk [tilespmem:v11+s29+$0x0], $0xffff  }
0x2a8: {  	v22 =	vmul.f32 v22, v23;
	v30 =	vld.idx.msk [tilespmem:v13+s29+$0x0], $0xffff  }
0x2a9: {  	v23 =	vld.idx.msk [tilespmem:v14+s29+$0x0], $0xffff  }
0x2aa: {  	v25 =	vmul.f32 v25, v32;
	[tilespmem:v26+s21+$0x0] =	vst.idx.add.f32.msk $0xffff, v22  }
0x2ab: {  	v22 =	vmul.f32 v27, v20;
	v26 =	vld.idx.msk [tilespmem:v15+s29+$0x0], $0xffff  }
0x2ac: {  	[tilespmem:v16+s19+$0x0] =	vst.idx.add.f32.msk $0xffff, v25;
	v25 =	vmul.f32 v28, v21  }
0x2ad: {  	[tilespmem:v6+s19+$0x0] =	vst.idx.add.f32.msk $0xffff, v22;
	v22 =	vmul.f32 v29, v18  }
0x2ae: {  	[tilespmem:v7+s19+$0x0] =	vst.idx.add.f32.msk $0xffff, v25;
	v25 =	vmul.f32 v30, v17  }
0x2af: {  	[tilespmem:v8+s19+$0x0] =	vst.idx.add.f32.msk $0xffff, v22;
	v22 =	vmul.f32 v23, v19  }
0x2b0: {  	[tilespmem:v1+s19+$0x0] =	vst.idx.add.f32.msk $0xffff, v25  }
0x2b1: {  	[tilespmem:v2+s19+$0x0] =	vst.idx.add.f32.msk $0xffff, v22;
	v22 =	vmul.f32 v26, v4  }
0x2b2: {  	v23 =	vld.idx.msk [tilespmem:v24+s30+$0x0], $0xffff  }
0x2b3: {  	[tilespmem:v12+s19+$0x0] =	vst.idx.add.f32.msk $0xffff, v22  }
0x2b4: {  	v22 =	vld.idx.msk [tilespmem:v9+s30+$0x0], $0xffff  }
0x2b5: {  	v25 =	vld.idx.msk [tilespmem:v10+s30+$0x0], $0xffff  }
0x2b6: {  	v26 =	vld.idx.msk [tilespmem:v11+s30+$0x0], $0xffff  }
0x2b7: {  	v27 =	vld.idx.msk [tilespmem:v13+s30+$0x0], $0xffff  }
0x2b8: {  	v23 =	vmul.f32 v23, v32;
	v28 =	vld.idx.msk [tilespmem:v14+s30+$0x0], $0xffff  }
0x2b9: {  	v29 =	vld.idx.msk [tilespmem:v15+s30+$0x0], $0xffff  }
0x2ba: {  	v22 =	vmul.f32 v22, v20;
	[tilespmem:v16+s20+$0x0] =	vst.idx.add.f32.msk $0xffff, v23  }
0x2bb: {  	v23 =	vld.idx.msk [tilespmem:v24+s31+$0x0], $0xffff;
	v24 =	vmul.f32 v25, v21  }
0x2bc: {  	[tilespmem:v6+s20+$0x0] =	vst.idx.add.f32.msk $0xffff, v22;
	v22 =	vmul.f32 v26, v18  }
0x2bd: {  	[tilespmem:v7+s20+$0x0] =	vst.idx.add.f32.msk $0xffff, v24;
	v24 =	vmul.f32 v27, v17  }
0x2be: {  	[tilespmem:v8+s20+$0x0] =	vst.idx.add.f32.msk $0xffff, v22;
	v22 =	vmul.f32 v28, v19  }
0x2bf: {  	[tilespmem:v1+s20+$0x0] =	vst.idx.add.f32.msk $0xffff, v24;
	v24 =	vmul.f32 v29, v4  }
0x2c0: {  	[tilespmem:v2+s20+$0x0] =	vst.idx.add.f32.msk $0xffff, v22  }
0x2c1: {  	v22 =	vmul.f32 v23, v32;
	[tilespmem:v12+s20+$0x0] =	vst.idx.add.f32.msk $0xffff, v24  }
0x2c2: {  	v23 =	vld.idx.msk [tilespmem:v9+s31+$0x0], $0xffff  }
0x2c3: {  	v10 =	vld.idx.msk [tilespmem:v10+s31+$0x0], $0xffff  }
0x2c4: {  	v11 =	vld.idx.msk [tilespmem:v11+s31+$0x0], $0xffff  }
0x2c5: {  	v13 =	vld.idx.msk [tilespmem:v13+s31+$0x0], $0xffff  }
0x2c6: {  	v14 =	vld.idx.msk [tilespmem:v14+s31+$0x0], $0xffff  }
0x2c7: {  	v9 =	vld.idx.msk [tilespmem:v15+s31+$0x0], $0xffff  }
.Ltmp8:
0x2c8: {  	v15 =	vmul.f32 v23, v20;
	[tilespmem:v16+s21+$0x0] =	vst.idx.add.f32.msk $0xffff, v22;
	(pc) =	sbr.rel @p0 .LBB2_13-.Ltmp8, $4  }
0x2c9: {  	v10 =	vmul.f32 v10, v21;
	[tilespmem:v3+s21+$0x0] =	vst.idx.add.f32.msk $0xffff, v5;
	v3 =	vmov v12  }
0x2ca: {  	v5 =	vmul.f32 v11, v18;
	[tilespmem:v6+s21+$0x0] =	vst.idx.add.f32.msk $0xffff, v15  }
0x2cb: {  	v13 =	vmul.f32 v13, v17;
	[tilespmem:v7+s21+$0x0] =	vst.idx.add.f32.msk $0xffff, v10  }
0x2cc: {  	s6 =	sadd.s32 $0x80, s6;
	v12 =	vmul.f32 v14, v19;
	[tilespmem:v8+s21+$0x0] =	vst.idx.add.f32.msk $0xffff, v5  }
0x2cd: {  	_ = 	snop  }
0x2ce: {  	p0 =	seq.s32 s22, $0x18  }
0x2cf: {  	s5 =	smul.u32 @!p0 $0x3200, s22;
	_ =	sdelay $0x1  }
0x2d0: {  	v4 =	vmul.f32 v9, v4;
	[tilespmem:v1+s21+$0x0] =	vst.idx.add.f32.msk $0xffff, v13;
	s5 =	sshrl.u32 @!p0 s5, $0x3  }
0x2d1: {  	[tilespmem:v2+s21+$0x0] =	vst.idx.add.f32.msk $0xffff, v12;
	s5 =	sadd.s32 @!p0 $0x640, s5  }
0x2d2: {  	s7 =	simm.s32 @!p0 $0x0;
	s8 =	simm.s32 @!p0 $0x13C00;
	[tilespmem:v3+s21+$0x0] =	vst.idx.add.f32.msk $0xffff, v4;
	s6 =	sadd.s32 @!p0 s2, s5  }
0x2d3: {  	[tilespmem:s8], [sflag:$0x1] =	stream.linear.gather @!p0 [hbm4b:s6+s7], $0x1900, $0x38;
	[tilespmem:$0x1A000] =	vst v63  }
0x2d4: {  	s5 =	sadd.s32 @!p0 s3, s5;
	s6 =	simm.s32 @!p0 $0x16E00  }
0x2d5: {  	[tilespmem:s6], [sflag:$0x1] =	stream.linear.gather @!p0 [hbm4b:s5+s7], $0x1900, $0x38;
	[tilespmem:$0x1A000] =	vst v63  }
0x2d6: {  	_ =	swait.ge [sflag:s1], $0x1900  }
0x2d7: {  	[sflag:s1] =	ssyncset.done $0x0  }
0x2d8: {  	[sflag:s1] =	ssyncadd.s32 $0xFFFFE700  }
0x2d9: {  	_ =	swait.ge [sflag:s1], $0x1900  }
0x2da: {  	[sflag:s1] =	ssyncset.done $0x0  }
0x2db: {  	s23 =	simm.s32 $0x15540;
	[sflag:s1] =	ssyncadd.s32 $0xFFFFE700  }
0x2dc: {  	v1 =	vld [tilespmem:s23+$0x30]  }
0x2dd: {  	v2 =	vld [tilespmem:s23+$0xFFFFFFD0]  }
0x2de: {  	v3 =	vld [tilespmem:s23+$0xFFFFFFE0]  }
0x2df: {  	v4 =	vld [tilespmem:s23+$0xFFFFFFF0]  }
0x2e0: {  	v5 =	vld [tilespmem:s23+$0x0]  }
0x2e1: {  	v7 =	vld [tilespmem:s23+$0x10]  }
0x2e2: {  	v9 =	vld [tilespmem:s23+$0xFFFFFFC0]  }
0x2e3: {  	v11 =	vld [tilespmem:s23+$0x20];
	s23 =	simm.s32 $0x18740;
	v6 =	vshrl.u32 v1, $0x10  }
0x2e4: {  	v16 =	vld [tilespmem:s23+$0x30]  }
0x2e5: {  	v26 =	vld [tilespmem:s23+$0xFFFFFFC0]  }
0x2e6: {  	v27 =	vld [tilespmem:s23+$0xFFFFFFD0]  }
0x2e7: {  	v28 =	vld [tilespmem:s23+$0xFFFFFFE0]  }
0x2e8: {  	v8 =	vshrl.u32 v2, $0x10;
	v14 =	vld.idx.msk [tilespmem:v6+s28+$0x0], $0xffff  }
0x2e9: {  	v29 =	vld [tilespmem:s23+$0xFFFFFFF0];
	v10 =	vshrl.u32 v3, $0x10  }
0x2ea: {  	v31 =	vld [tilespmem:s23+$0x0];
	v20 =	vand.u32 $0xFFFF, v1  }
0x2eb: {  	v33 =	vld [tilespmem:s23+$0x10]  }
0x2ec: {  	v12 =	vshrl.u32 v4, $0x10;
	v35 =	vand.u32 $0xFFFF, v4;
	v4 =	vld [tilespmem:s23+$0x20]  }
0x2ed: {  	v15 =	vshrl.u32 v7, $0x10;
	v18 =	vld.idx.msk [tilespmem:v8+s28+$0x0], $0xffff;
	v1 =	vmul.f32 v14, v16  }
0x2ee: {  	v13 =	vshrl.u32 v5, $0x10;
	v19 =	vld.idx.msk [tilespmem:v10+s28+$0x0], $0xffff  }
0x2ef: {  	v22 =	vshrl.u32 v11, $0x10;
	[tilespmem:v20+s4+$0x0] =	vst.idx.add.f32.msk $0xffff, v1  }
0x2f0: {  	v17 =	vshrl.u32 v9, $0x10;
	v1 =	vld.idx.msk [tilespmem:v6+s29+$0x0], $0xffff  }
0x2f1: {  	v34 =	vand.u32 $0xFFFF, v3;
	v21 =	vld.idx.msk [tilespmem:v12+s28+$0x0], $0xffff  }
0x2f2: {  	v24 =	vld.idx.msk [tilespmem:v15+s28+$0x0], $0xffff  }
0x2f3: {  	v23 =	vld.idx.msk [tilespmem:v13+s28+$0x0], $0xffff  }
0x2f4: {  	v32 =	vand.u32 $0xFFFF, v2;
	v2 =	vand.u32 $0xFFFF, v7;
	v25 =	vld.idx.msk [tilespmem:v22+s28+$0x0], $0xffff;
	v7 =	vmul.f32 v19, v28  }
0x2f5: {  	v14 =	vld.idx.msk [tilespmem:v17+s28+$0x0], $0xffff;
	v1 =	vmul.f32 v1, v16  }
0x2f6: {  	[tilespmem:v34+s4+$0x0] =	vst.idx.add.f32.msk $0xffff, v7  }
0x2f7: {  	v30 =	vand.u32 $0xFFFF, v9;
	v7 =	vmul.f32 v24, v33;
	[tilespmem:v20+s19+$0x0] =	vst.idx.add.f32.msk $0xffff, v1  }
0x2f8: {  	v1 =	vand.u32 $0xFFFF, v5;
	v9 =	vld.idx.msk [tilespmem:v6+s30+$0x0], $0xffff  }
0x2f9: {  	[tilespmem:v2+s4+$0x0] =	vst.idx.add.f32.msk $0xffff, v7;
	v5 =	vmul.f32 v18, v27  }
0x2fa: {  	v3 =	vmul.f32 v14, v26;
	v62 =	vld.idx.msk [tilespmem:v15+s29+$0x0], $0xffff  }
0x2fb: {  	[tilespmem:v32+s4+$0x0] =	vst.idx.add.f32.msk $0xffff, v5;
	v5 =	vmul.f32 v23, v31  }
0x2fc: {  	v14 =	vmul.f32 v21, v29;
	[tilespmem:v30+s4+$0x0] =	vst.idx.add.f32.msk $0xffff, v3;
	v3 =	vand.u32 $0xFFFF, v11  }
0x2fd: {  	[tilespmem:v1+s4+$0x0] =	vst.idx.add.f32.msk $0xffff, v5;
	v5 =	vmul.f32 v9, v16  }
0x2fe: {  	[tilespmem:v35+s4+$0x0] =	vst.idx.add.f32.msk $0xffff, v14  }
0x2ff: {  	v7 =	vmul.f32 v25, v4;
	[tilespmem:v20+s20+$0x0] =	vst.idx.add.f32.msk $0xffff, v5  }
0x300: {  	v5 =	vld.idx.msk [tilespmem:v6+s31+$0x0], $0xffff  }
0x301: {  	[tilespmem:v3+s4+$0x0] =	vst.idx.add.f32.msk $0xffff, v7  }
0x302: {  	v6 =	vld.idx.msk [tilespmem:v17+s29+$0x0], $0xffff  }
0x303: {  	v7 =	vld.idx.msk [tilespmem:v8+s29+$0x0], $0xffff  }
0x304: {  	v9 =	vld.idx.msk [tilespmem:v10+s29+$0x0], $0xffff  }
0x305: {  	v11 =	vld.idx.msk [tilespmem:v12+s29+$0x0], $0xffff;
	v5 =	vmul.f32 v5, v16  }
0x306: {  	v14 =	vld.idx.msk [tilespmem:v13+s29+$0x0], $0xffff  }
0x307: {  	v6 =	vmul.f32 v6, v26;
	[tilespmem:v20+s21+$0x0] =	vst.idx.add.f32.msk $0xffff, v5  }
0x308: {  	v5 =	vmul.f32 v7, v27;
	v7 =	vld.idx.msk [tilespmem:v22+s29+$0x0], $0xffff  }
0x309: {  	[tilespmem:v30+s19+$0x0] =	vst.idx.add.f32.msk $0xffff, v6;
	v6 =	vmul.f32 v9, v28  }
0x30a: {  	[tilespmem:v32+s19+$0x0] =	vst.idx.add.f32.msk $0xffff, v5;
	v5 =	vmul.f32 v11, v29  }
0x30b: {  	[tilespmem:v34+s19+$0x0] =	vst.idx.add.f32.msk $0xffff, v6;
	v6 =	vmul.f32 v14, v31  }
0x30c: {  	[tilespmem:v35+s19+$0x0] =	vst.idx.add.f32.msk $0xffff, v5  }
0x30d: {  	[tilespmem:v1+s19+$0x0] =	vst.idx.add.f32.msk $0xffff, v6  }
0x30e: {  	v5 =	vmul.f32 v62, v33;
	v6 =	vld.idx.msk [tilespmem:v17+s30+$0x0], $0xffff  }
0x30f: {  	v9 =	vld.idx.msk [tilespmem:v12+s30+$0x0], $0xffff  }
0x310: {  	[tilespmem:v2+s19+$0x0] =	vst.idx.add.f32.msk $0xffff, v5;
	v5 =	vmul.f32 v7, v4  }
0x311: {  	v7 =	vld.idx.msk [tilespmem:v10+s30+$0x0], $0xffff  }
0x312: {  	[tilespmem:v3+s19+$0x0] =	vst.idx.add.f32.msk $0xffff, v5  }
0x313: {  	v5 =	vld.idx.msk [tilespmem:v8+s30+$0x0], $0xffff  }
0x314: {  	v11 =	vld.idx.msk [tilespmem:v13+s30+$0x0], $0xffff  }
0x315: {  	v14 =	vld.idx.msk [tilespmem:v15+s30+$0x0], $0xffff;
	v6 =	vmul.f32 v6, v26  }
0x316: {  	v63 =	vld.idx.msk [tilespmem:v22+s30+$0x0], $0xffff  }
0x317: {  	[tilespmem:v30+s20+$0x0] =	vst.idx.add.f32.msk $0xffff, v6;
	v7 =	vmul.f32 v7, v28  }
0x318: {  	v6 =	vld.idx.msk [tilespmem:v17+s31+$0x0], $0xffff;
	v5 =	vmul.f32 v5, v27  }
0x319: {  	[tilespmem:v34+s20+$0x0] =	vst.idx.add.f32.msk $0xffff, v7;
	v7 =	vmul.f32 v11, v31  }
0x31a: {  	[tilespmem:v32+s20+$0x0] =	vst.idx.add.f32.msk $0xffff, v5;
	v5 =	vmul.f32 v9, v29  }
0x31b: {  	[tilespmem:v1+s20+$0x0] =	vst.idx.add.f32.msk $0xffff, v7;
	v7 =	vmul.f32 v63, v4  }
0x31c: {  	[tilespmem:v35+s20+$0x0] =	vst.idx.add.f32.msk $0xffff, v5;
	v5 =	vmul.f32 v14, v33  }
0x31d: {  	[tilespmem:v3+s20+$0x0] =	vst.idx.add.f32.msk $0xffff, v7  }
0x31e: {  	[tilespmem:v2+s20+$0x0] =	vst.idx.add.f32.msk $0xffff, v5  }
0x31f: {  	v5 =	vld.idx.msk [tilespmem:v8+s31+$0x0], $0xffff  }
0x320: {  	v7 =	vld.idx.msk [tilespmem:v10+s31+$0x0], $0xffff  }
0x321: {  	v8 =	vld.idx.msk [tilespmem:v12+s31+$0x0], $0xffff  }
0x322: {  	v10 =	vld.idx.msk [tilespmem:v13+s31+$0x0], $0xffff  }
0x323: {  	v6 =	vmul.f32 v6, v26;
	v11 =	vld.idx.msk [tilespmem:v15+s31+$0x0], $0xffff  }
0x324: {  	v9 =	vld.idx.msk [tilespmem:v22+s31+$0x0], $0xffff;
	v5 =	vmul.f32 v5, v27  }
0x325: {  	[tilespmem:v30+s21+$0x0] =	vst.idx.add.f32.msk $0xffff, v6;
	v6 =	vmul.f32 v7, v28  }
0x326: {  	[tilespmem:v32+s21+$0x0] =	vst.idx.add.f32.msk $0xffff, v5;
	v5 =	vmul.f32 v8, v29  }
0x327: {  	[tilespmem:v34+s21+$0x0] =	vst.idx.add.f32.msk $0xffff, v6  }
0x328: {  	s5 =	simm.s32 $0x0;
	s6 =	simm.s32 $0x155C0;
	v12 =	vmul.f32 v10, v31;
	v14 =	vmul.f32 v11, v33;
	[tilespmem:v35+s21+$0x0] =	vst.idx.add.f32.msk $0xffff, v5  }
.LBB2_15:
0x329: {  	v17 =	vld [tilespmem:s6+$0x30];
	s5 =	sadd.s32 $0x8, s5;
	v5 =	vmul.f32 v9, v4  }
0x32a: {  	v4 =	vld [tilespmem:s6+$0xFFFFFFD0];
	p1 =	slt.u32 s5, $0x188  }
0x32b: {  	v7 =	vld [tilespmem:s6+$0xFFFFFFE0]  }
0x32c: {  	v8 =	vld [tilespmem:s6+$0xFFFFFFF0]  }
0x32d: {  	v15 =	vld [tilespmem:s6+$0x0]  }
0x32e: {  	v16 =	vld [tilespmem:s6+$0x10];
	v22 =	vshrl.u32 v17, $0x10  }
0x32f: {  	v9 =	vshrl.u32 v4, $0x10;
	v6 =	vand.u32 $0xFFFF, v4;
	v4 =	vld [tilespmem:s6+$0x20]  }
0x330: {  	v18 =	vld [tilespmem:s6+$0xFFFFFFC0];
	v10 =	vshrl.u32 v7, $0x10;
	v7 =	vand.u32 $0xFFFF, v7  }
0x331: {  	v11 =	vshrl.u32 v8, $0x10;
	v8 =	vand.u32 $0xFFFF, v8;
	[tilespmem:v1+s21+$0x0] =	vst.idx.add.f32.msk $0xffff, v12  }
0x332: {  	v13 =	vshrl.u32 v15, $0x10;
	v1 =	vand.u32 $0xFFFF, v15;
	[tilespmem:v2+s21+$0x0] =	vst.idx.add.f32.msk $0xffff, v14  }
0x333: {  	s23 =	sadd.s32 $0x80, s23;
	v14 =	vshrl.u32 v16, $0x10;
	v2 =	vand.u32 $0xFFFF, v16;
	v19 =	vld.idx.msk [tilespmem:v22+s28+$0x0], $0xffff  }
0x334: {  	v15 =	vshrl.u32 v4, $0x10;
	v12 =	vand.u32 $0xFFFF, v4;
	v23 =	vld [tilespmem:s23+$0x30]  }
0x335: {  	v24 =	vshrl.u32 v18, $0x10;
	v16 =	vand.u32 $0xFFFF, v18;
	v4 =	vld.idx.msk [tilespmem:v9+s28+$0x0], $0xffff  }
0x336: {  	v26 =	vand.u32 $0xFFFF, v17;
	v25 =	vld.idx.msk [tilespmem:v10+s28+$0x0], $0xffff  }
0x337: {  	v27 =	vld.idx.msk [tilespmem:v11+s28+$0x0], $0xffff  }
0x338: {  	v28 =	vld.idx.msk [tilespmem:v13+s28+$0x0], $0xffff  }
0x339: {  	v29 =	vld.idx.msk [tilespmem:v14+s28+$0x0], $0xffff;
	v17 =	vmul.f32 v19, v23  }
0x33a: {  	v19 =	vld.idx.msk [tilespmem:v24+s28+$0x0], $0xffff  }
0x33b: {  	[tilespmem:v26+s4+$0x0] =	vst.idx.add.f32.msk $0xffff, v17  }
0x33c: {  	v30 =	vld.idx.msk [tilespmem:v22+s29+$0x0], $0xffff  }
0x33d: {  	v31 =	vld.idx.msk [tilespmem:v15+s28+$0x0], $0xffff  }
0x33e: {  	v32 =	vld [tilespmem:s23+$0xFFFFFFC0]  }
0x33f: {  	v20 =	vld [tilespmem:s23+$0xFFFFFFD0]  }
0x340: {  	v21 =	vld [tilespmem:s23+$0xFFFFFFE0]  }
0x341: {  	v18 =	vld [tilespmem:s23+$0xFFFFFFF0]  }
0x342: {  	v30 =	vmul.f32 v30, v23;
	v17 =	vld [tilespmem:s23+$0x0]  }
0x343: {  	v33 =	vmul.f32 v19, v32;
	v19 =	vld [tilespmem:s23+$0x10]  }
0x344: {  	v34 =	vmul.f32 v4, v20;
	[tilespmem:v26+s19+$0x0] =	vst.idx.add.f32.msk $0xffff, v30  }
0x345: {  	v25 =	vmul.f32 v25, v21;
	v30 =	vld.idx.msk [tilespmem:v22+s30+$0x0], $0xffff  }
0x346: {  	v27 =	vmul.f32 v27, v18;
	v4 =	vld [tilespmem:s23+$0x20]  }
0x347: {  	[tilespmem:v16+s4+$0x0] =	vst.idx.add.f32.msk $0xffff, v33;
	v28 =	vmul.f32 v28, v17  }
0x348: {  	[tilespmem:v6+s4+$0x0] =	vst.idx.add.f32.msk $0xffff, v34;
	v29 =	vmul.f32 v29, v19  }
0x349: {  	[tilespmem:v7+s4+$0x0] =	vst.idx.add.f32.msk $0xffff, v25  }
0x34a: {  	[tilespmem:v8+s4+$0x0] =	vst.idx.add.f32.msk $0xffff, v27  }
0x34b: {  	v27 =	vmul.f32 v30, v23;
	[tilespmem:v1+s4+$0x0] =	vst.idx.add.f32.msk $0xffff, v28;
	v25 =	vmul.f32 v31, v4  }
0x34c: {  	[tilespmem:v2+s4+$0x0] =	vst.idx.add.f32.msk $0xffff, v29  }
0x34d: {  	[tilespmem:v26+s20+$0x0] =	vst.idx.add.f32.msk $0xffff, v27  }
0x34e: {  	v22 =	vld.idx.msk [tilespmem:v22+s31+$0x0], $0xffff  }
0x34f: {  	[tilespmem:v12+s4+$0x0] =	vst.idx.add.f32.msk $0xffff, v25  }
0x350: {  	v25 =	vld.idx.msk [tilespmem:v24+s29+$0x0], $0xffff  }
0x351: {  	v27 =	vld.idx.msk [tilespmem:v9+s29+$0x0], $0xffff  }
0x352: {  	v28 =	vld.idx.msk [tilespmem:v10+s29+$0x0], $0xffff  }
0x353: {  	v29 =	vld.idx.msk [tilespmem:v11+s29+$0x0], $0xffff  }
0x354: {  	v22 =	vmul.f32 v22, v23;
	v30 =	vld.idx.msk [tilespmem:v13+s29+$0x0], $0xffff  }
0x355: {  	v23 =	vld.idx.msk [tilespmem:v14+s29+$0x0], $0xffff  }
0x356: {  	v25 =	vmul.f32 v25, v32;
	[tilespmem:v26+s21+$0x0] =	vst.idx.add.f32.msk $0xffff, v22  }
0x357: {  	v22 =	vmul.f32 v27, v20;
	v26 =	vld.idx.msk [tilespmem:v15+s29+$0x0], $0xffff  }
0x358: {  	[tilespmem:v16+s19+$0x0] =	vst.idx.add.f32.msk $0xffff, v25;
	v25 =	vmul.f32 v28, v21  }
0x359: {  	[tilespmem:v6+s19+$0x0] =	vst.idx.add.f32.msk $0xffff, v22;
	v22 =	vmul.f32 v29, v18  }
0x35a: {  	[tilespmem:v7+s19+$0x0] =	vst.idx.add.f32.msk $0xffff, v25;
	v25 =	vmul.f32 v30, v17  }
0x35b: {  	[tilespmem:v8+s19+$0x0] =	vst.idx.add.f32.msk $0xffff, v22;
	v22 =	vmul.f32 v23, v19  }
0x35c: {  	[tilespmem:v1+s19+$0x0] =	vst.idx.add.f32.msk $0xffff, v25  }
0x35d: {  	[tilespmem:v2+s19+$0x0] =	vst.idx.add.f32.msk $0xffff, v22;
	v22 =	vmul.f32 v26, v4  }
0x35e: {  	v23 =	vld.idx.msk [tilespmem:v24+s30+$0x0], $0xffff  }
0x35f: {  	[tilespmem:v12+s19+$0x0] =	vst.idx.add.f32.msk $0xffff, v22  }
0x360: {  	v22 =	vld.idx.msk [tilespmem:v9+s30+$0x0], $0xffff  }
0x361: {  	v25 =	vld.idx.msk [tilespmem:v10+s30+$0x0], $0xffff  }
0x362: {  	v26 =	vld.idx.msk [tilespmem:v11+s30+$0x0], $0xffff  }
0x363: {  	v27 =	vld.idx.msk [tilespmem:v13+s30+$0x0], $0xffff  }
0x364: {  	v23 =	vmul.f32 v23, v32;
	v28 =	vld.idx.msk [tilespmem:v14+s30+$0x0], $0xffff  }
0x365: {  	v29 =	vld.idx.msk [tilespmem:v15+s30+$0x0], $0xffff  }
0x366: {  	v22 =	vmul.f32 v22, v20;
	[tilespmem:v16+s20+$0x0] =	vst.idx.add.f32.msk $0xffff, v23  }
0x367: {  	v23 =	vld.idx.msk [tilespmem:v24+s31+$0x0], $0xffff;
	v24 =	vmul.f32 v25, v21  }
0x368: {  	[tilespmem:v6+s20+$0x0] =	vst.idx.add.f32.msk $0xffff, v22;
	v22 =	vmul.f32 v26, v18  }
0x369: {  	[tilespmem:v7+s20+$0x0] =	vst.idx.add.f32.msk $0xffff, v24;
	v24 =	vmul.f32 v27, v17  }
0x36a: {  	[tilespmem:v8+s20+$0x0] =	vst.idx.add.f32.msk $0xffff, v22;
	v22 =	vmul.f32 v28, v19  }
0x36b: {  	[tilespmem:v1+s20+$0x0] =	vst.idx.add.f32.msk $0xffff, v24;
	v24 =	vmul.f32 v29, v4  }
0x36c: {  	[tilespmem:v2+s20+$0x0] =	vst.idx.add.f32.msk $0xffff, v22  }
0x36d: {  	v22 =	vmul.f32 v23, v32;
	[tilespmem:v12+s20+$0x0] =	vst.idx.add.f32.msk $0xffff, v24  }
0x36e: {  	v23 =	vld.idx.msk [tilespmem:v9+s31+$0x0], $0xffff  }
0x36f: {  	v10 =	vld.idx.msk [tilespmem:v10+s31+$0x0], $0xffff  }
0x370: {  	v11 =	vld.idx.msk [tilespmem:v11+s31+$0x0], $0xffff  }
0x371: {  	v13 =	vld.idx.msk [tilespmem:v13+s31+$0x0], $0xffff  }
0x372: {  	v14 =	vld.idx.msk [tilespmem:v14+s31+$0x0], $0xffff  }
0x373: {  	v9 =	vld.idx.msk [tilespmem:v15+s31+$0x0], $0xffff  }
.Ltmp9:
0x374: {  	v15 =	vmul.f32 v23, v20;
	[tilespmem:v16+s21+$0x0] =	vst.idx.add.f32.msk $0xffff, v22;
	(pc) =	sbr.rel @p1 .LBB2_15-.Ltmp9, $4  }
0x375: {  	v10 =	vmul.f32 v10, v21;
	[tilespmem:v3+s21+$0x0] =	vst.idx.add.f32.msk $0xffff, v5;
	v3 =	vmov v12  }
0x376: {  	v5 =	vmul.f32 v11, v18;
	[tilespmem:v6+s21+$0x0] =	vst.idx.add.f32.msk $0xffff, v15  }
0x377: {  	v12 =	vmul.f32 v13, v17;
	[tilespmem:v7+s21+$0x0] =	vst.idx.add.f32.msk $0xffff, v10  }
0x378: {  	s6 =	sadd.s32 $0x80, s6;
	v14 =	vmul.f32 v14, v19;
	[tilespmem:v8+s21+$0x0] =	vst.idx.add.f32.msk $0xffff, v5  }
0x379: {  	_ =	sdelay $0x1  }
.Ltmp10:
0x37a: {  	_ = 	snop;
	(pc) =	sbr.rel @p0 .LBB2_18-.Ltmp10, $4  }
0x37b: {  	_ = 	snop  }
0x37c: {  	v4 =	vmul.f32 v9, v4;
	[tilespmem:v1+s21+$0x0] =	vst.idx.add.f32.msk $0xffff, v12  }
0x37d: {  	[tilespmem:v2+s21+$0x0] =	vst.idx.add.f32.msk $0xffff, v14  }
0x37e: {  	[tilespmem:v3+s21+$0x0] =	vst.idx.add.f32.msk $0xffff, v4  }
0x37f: {  	s5 =	smul.u32 $0x3200, s22;
	_ =	sdelay $0x1  }
0x380: {  	s5 =	sshrl.u32 s5, $0x3  }
.Ltmp11:
0x381: {  	s5 =	sadd.s32 $0x960, s5;
	(pc) =	sbr.rel .LBB2_12-.Ltmp11, $4  }
0x382: {  	s6 =	sadd.s32 s2, s5  }
0x383: {  	[tilespmem:s24], [sflag:$0x2] =	stream.linear.gather [hbm4b:s6+s4], $0x1900, $0x38;
	[tilespmem:$0x1A000] =	vst v63  }
0x384: {  	s22 =	sadd.s32 $0x1, s22;
	s5 =	sadd.s32 s3, s5  }
0x385: {  	[tilespmem:s25], [sflag:$0x2] =	stream.linear.gather [hbm4b:s5+s4], $0x1900, $0x38;
	[tilespmem:$0x1A000] =	vst v63  }
.LBB2_19:
0x386: {  	_ =	sfence.sel $0x180000  }
0x387: {  	[bflag:$0x0] =	sbarrier.arrive $0xFFFF  }
0x388: {  	_ =	strace $0x90000047  }
0x389: {  	s0 =	stileid.u32;
	[bflag:$0x2] =	sbarrier.arrive $0xFFFF  }
0x38a: {  	p0 =	sne.s32 s0, $0x0;
	s0 =	rddreg [dreg:$0x3]  }
0x38b: {  	s0 =	sadd.s32 @!p0 $0x100000, s0  }
0x38c: {  	[sflag:s0] =	ssyncadd.tile.s32 @!p0 $0x1;
	_ =	shalt  }
.Lfunc_end2:
_tile_overlayer_lowered:
.L_overlay_start_2:
0x38d: {  	(tag) =	ssettag $0x2  }
0x38e: {  	s0 =	rddreg [dreg:$0x0];
	s2 =	stileid.u32  }
0x38f: {  	s1 =	rddreg [dreg:$0x1];
	p0 =	sne.s32 s2, $0x0  }
0x390: {  	s3 =	rddreg [dreg:$0x2];
	[bflag:$0x3] =	sbarrier.arrive $0xFFFF;
	s2 =	simm.s32 @!p0 $0x1C03  }
0x391: {  	[timem:s3], [sflag:s2] =	dma.local @!p0 [hbm:s0], s1  }
0x392: {  	s0 =	simm.s32 @!p0 $0x3  }
0x393: {  	_ =	swait.ge @!p0 [sflag:s0], s1  }
0x394: {  	s1 =	ssub.s32 @!p0 $0x0, s1;
	[sflag:s0] =	ssyncset.done @!p0 $0x0  }
0x395: {  	[sflag:s0] =	ssyncadd.s32 @!p0 s1  }
0x396: {  	[bflag:$0x3] =	sbarrier.arrive $0xFFFF  }
0x397: {  	_ =	shalt  }

</sc_bundles>
